<compile_context>
chip_gen: v7x
topology: tpu7x:2x2x1
jax: 0.10.2.dev20260603
libtpu: 0.0.44.dev20260713+nightly
codegen_flags: <defaults>
</compile_context>

<pallas_src>
import functools

import jax
import jax.numpy as jnp
from jax import lax
from jax.experimental import pallas as pl
from jax.experimental.pallas import tpu as pltpu
from jax.experimental.pallas import tpu_sc as plsc

NUM_CLASSES = 21
NPAD = 8960
_UNROLL = 8
_NW = 32


def _stage1_body(conf_ref, t_ref, locp_ref, loct_ref, csel_ref, ckey_ref,
                 stat_ref, npos_ref, stat_s):
    i = pl.program_id(0)
    b = t_ref.shape[0]
    n = t_ref.shape[1]

    conf = conf_ref[0].astype(jnp.float32)
    t_row = t_ref[pl.ds(i, 1), :]
    pos = t_row > 0
    posf = pos.astype(jnp.float32)

    e = jnp.exp(conf)
    ones = jnp.ones((1, conf.shape[0]), jnp.float32)
    s = jax.lax.dot_general(ones, e, (((1,), (0,)), ((), ())),
                            preferred_element_type=jnp.float32)
    lse = jnp.log(s)
    cls = jax.lax.broadcasted_iota(jnp.int32, conf.shape, 0)
    onehot = (cls == t_row).astype(jnp.float32)
    tgt = jax.lax.dot_general(ones, conf * onehot, (((1,), (0,)), ((), ())),
                              preferred_element_type=jnp.float32)
    ce = lse - tgt

    c_sel = jnp.maximum(jnp.where(pos, 0.0, ce), 0.0)
    csel_ref[pl.ds(i, 1), :n] = c_sel
    csel_ref[pl.ds(i, 1), n:] = jnp.zeros((1, NPAD - n), jnp.float32)
    ckey_ref[pl.ds(i, 1), :n] = jax.lax.bitcast_convert_type(c_sel, jnp.int32)
    ckey_ref[pl.ds(i, 1), n:] = jnp.zeros((1, NPAD - n), jnp.int32)
    npos_ref[pl.ds(i, 1), :] = jnp.sum(pos.astype(jnp.int32)).reshape(1, 1)

    pos_ce = jnp.sum(posf * ce)

    d = locp_ref[0].astype(jnp.float32) - loct_ref[0].astype(jnp.float32)
    ad = jnp.abs(d)
    sl1 = jnp.where(ad < 1.0, 0.5 * d * d, ad - 0.5)
    loc = jnp.sum(sl1 * posf)

    @pl.when(i == 0)
    def _():
        stat_s[0] = 0.0

    stat_s[0] += pos_ce + loc

    @pl.when(i == b - 1)
    def _():
        stat_ref[...] = stat_s[0].reshape(1, 1)


def _butterfly(x, op):
    idx = lax.iota(jnp.int32, 16)
    dnums = lax.GatherDimensionNumbers(
        offset_dims=(), collapsed_slice_dims=(0,), start_index_map=(0,))
    for sh in (8, 4, 2, 1):
        shuf = lax.gather(x, (idx ^ sh)[:, None], dnums, (1,),
                          mode=lax.GatherScatterMode.PROMISE_IN_BOUNDS)
        x = op(x, shuf)
    return x


def _mine_body(n, csel_hbm, ckey_hbm, npos_hbm, out_hbm, row_v, key_v, npos_v,
               out_v):
    wid = lax.axis_index("s") * 2 + lax.axis_index("c")
    pltpu.sync_copy(csel_hbm.at[pl.ds(wid * NPAD, NPAD)], row_v)
    pltpu.sync_copy(ckey_hbm.at[pl.ds(wid * NPAD, NPAD)], key_v)
    pltpu.sync_copy(npos_hbm, npos_v.at[pl.ds(0, _NW)])
    np_ = npos_v[pl.ds(wid, 16)][0]
    k = jnp.minimum(3 * np_, n - np_)
    kv = jnp.full((16,), k, jnp.int32)

    nchunks = NPAD // (16 * _UNROLL)

    def count_pass(thr):
        def chunk(ci, acc):
            base = ci * (16 * _UNROLL)
            for j in range(_UNROLL):
                v = key_v[pl.ds(base + j * 16, 16)]
                acc = acc + jnp.where(v > thr, 1, 0).astype(jnp.int32)
            return acc
        acc = lax.fori_loop(0, nchunks, chunk, jnp.zeros((16,), jnp.int32))
        return _butterfly(acc, jnp.add)

    def sbody(_, carry):
        lo, hi = carry
        mid = lo + lax.shift_right_logical(hi - lo, 1)
        cnt = count_pass(mid)
        take = cnt < kv
        return jnp.where(take, lo, mid + 1), jnp.where(take, mid, hi)

    lo0 = jnp.zeros((16,), jnp.int32)
    hi0 = jnp.full((16,), 0x7F800000, jnp.int32)
    vbits, _ = lax.fori_loop(0, 31, sbody, (lo0, hi0))

    def final_chunk(ci, carry):
        accc, accs, accm = carry
        base = ci * (16 * _UNROLL)
        for j in range(_UNROLL):
            kk = key_v[pl.ds(base + j * 16, 16)]
            v = row_v[pl.ds(base + j * 16, 16)]
            gt = kk > vbits
            accc = accc + jnp.where(gt, 1, 0).astype(jnp.int32)
            accs = accs + jnp.where(gt, v, 0.0)
            accm = jnp.maximum(accm, jnp.where(gt, 0.0, v))
        return accc, accs, accm

    accc, accs, accm = lax.fori_loop(
        0, nchunks, final_chunk,
        (jnp.zeros((16,), jnp.int32), jnp.zeros((16,), jnp.float32),
         jnp.zeros((16,), jnp.float32)))
    cnt_gt = _butterfly(accc, jnp.add)
    sum_gt = _butterfly(accs, jnp.add)
    vf = _butterfly(accm, jnp.maximum)
    topk = sum_gt + (kv - cnt_gt).astype(jnp.float32) * vf

    out_v[...] = topk
    pltpu.sync_copy(out_v, out_hbm.at[pl.ds(wid * 16, 16)])


def kernel(loc_p, loc_t, conf_p, conf_t):
    b, n, _ = loc_p.shape
    conf_tr = jnp.transpose(conf_p.astype(jnp.bfloat16), (0, 2, 1))
    locp_tr = jnp.transpose(loc_p.astype(jnp.bfloat16), (0, 2, 1))
    loct_tr = jnp.transpose(loc_t.astype(jnp.bfloat16), (0, 2, 1))
    t32 = conf_t.astype(jnp.int32)

    csel, ckey, stat, npos = pl.pallas_call(
        _stage1_body,
        grid=(b,),
        in_specs=[
            pl.BlockSpec((1, NUM_CLASSES, n), lambda i: (i, 0, 0)),
            pl.BlockSpec((b, n), lambda i: (0, 0)),
            pl.BlockSpec((1, 4, n), lambda i: (i, 0, 0)),
            pl.BlockSpec((1, 4, n), lambda i: (i, 0, 0)),
        ],
        out_specs=[
            pl.BlockSpec((b, NPAD), lambda i: (0, 0)),
            pl.BlockSpec((b, NPAD), lambda i: (0, 0)),
            pl.BlockSpec((1, 1), lambda i: (0, 0)),
            pl.BlockSpec((b, 1), lambda i: (0, 0)),
        ],
        out_shape=[
            jax.ShapeDtypeStruct((b, NPAD), jnp.float32),
            jax.ShapeDtypeStruct((b, NPAD), jnp.int32),
            jax.ShapeDtypeStruct((1, 1), jnp.float32),
            jax.ShapeDtypeStruct((b, 1), jnp.int32),
        ],
        scratch_shapes=[pltpu.SMEM((1,), jnp.float32)],
    )(conf_tr, t32, locp_tr, loct_tr)

    mesh = plsc.VectorSubcoreMesh(core_axis_name="c", subcore_axis_name="s")
    mine = functools.partial(
        pl.kernel,
        mesh=mesh,
        out_type=jax.ShapeDtypeStruct((_NW * 16,), jnp.float32),
        scratch_types=[
            pltpu.VMEM((NPAD,), jnp.float32),
            pltpu.VMEM((NPAD,), jnp.int32),
            pltpu.VMEM((_NW + 16,), jnp.int32),
            pltpu.VMEM((16,), jnp.float32),
        ],
    )(functools.partial(_mine_body, n))

    parts = mine(csel.reshape(b * NPAD), ckey.reshape(b * NPAD),
                 npos.reshape(b))

    topk_total = jnp.sum(parts.reshape(_NW, 16)[:, 0])
    num_matched = jnp.sum(npos).astype(jnp.float32)
    return (stat[0, 0] + topk_total) / num_matched

# --- scband reference (transcript-rebuilt; emitter-appended) ---
"""Pipeline reference for scband-multibox-loss-62457414418817 (READ-ONLY COPY).

The authoritative reference and input builder live on the scoring server;
editing this copy changes nothing except your own understanding.
"""

import jax, jax.numpy as jnp
import numpy as np

NUM_CLASSES = 21
B = 32
N = 8732

def setup_inputs(seed: int = 0) -> dict:
    key = jax.random.key(seed)
    k1, k2, k3, k4 = jax.random.split(key, 4)
    loc_p = jax.random.normal(k1, (B, N, 4), dtype=jnp.float32)
    loc_t = jax.random.normal(k2, (B, N, 4), dtype=jnp.float32)
    conf_p = jax.random.normal(k3, (B, N, NUM_CLASSES), dtype=jnp.float32)
    conf_t = jax.random.randint(k4, (B, N), 0, NUM_CLASSES, dtype=jnp.int64)
    return {"loc_p": loc_p, "loc_t": loc_t, "conf_p": conf_p, "conf_t": conf_t}

def _cross_entropy_no_av(p, t):
    # log(sum(exp(p - max), 1)) + max - p.gather(1, t)
    m = jnp.max(p)
    lse = jnp.log(jnp.sum(jnp.exp(p - m), axis=1)) + m
    tgt = jnp.take_along_axis(p, t[:, None], axis=1)[:, 0]
    return lse - tgt

def reference(loc_p, loc_t, conf_p, conf_t):
    batch_size, num_boxes, _ = loc_p.shape
    positives = conf_t > 0
    num_matched = jnp.sum(positives.astype(jnp.int64)).astype(jnp.float32)
    # smooth L1 over positive boxes, summed (size_average=False)
    diff = loc_p - loc_t
    abs_d = jnp.abs(diff)
    sl1 = jnp.where(abs_d < 1.0, 0.5 * diff * diff, abs_d - 0.5)
    loc_loss = jnp.sum(sl1 * positives[:, :, None].astype(loc_p.dtype))
    # per-box classification loss for hard negative mining
    conf_flat = conf_p.reshape(-1, NUM_CLASSES)
    t_flat = conf_t.reshape(-1)
    c_loss_box = _cross_entropy_no_av(conf_flat, t_flat).reshape(batch_size, num_boxes)
    # zero out positives, sort descending, rank
    c_mine = jnp.where(positives, 0.0, c_loss_box)
    idx = jnp.argsort(-c_mine, axis=1)
    rank = jnp.argsort(idx, axis=1)
    num_pos = jnp.sum(positives.astype(jnp.int64), axis=1)
    num_neg = jnp.minimum(num_pos * 3, num_boxes - num_pos)
    negatives = rank < num_neg[:, None]
    pos_neg = jnp.logical_or(positives, negatives)
    # F.cross_entropy(size_average=False) over selected boxes == sum of (lse - target_logit)
    c_loss = jnp.sum(jnp.where(pos_neg, c_loss_box, 0.0))
    loc_loss = loc_loss / num_matched
    c_loss = c_loss / num_matched
    return loc_loss + c_loss

if __name__ == "__main__":
    import jax
    _d = setup_inputs()
    print(jax.jit(kernel)(*tuple(_d.values())))

</pallas_src>

<mosaic_0001>
#map = affine_map<(d0, d1) -> (0)>
module attributes {stable_mosaic.version = 14 : i64} {
  func.func @_mine_body(%arg0: i32, %arg1: i32, %arg2: memref<286720xf32, #tpu.memory_space<hbm>>, %arg3: memref<286720xi32, #tpu.memory_space<hbm>>, %arg4: memref<32xi32, #tpu.memory_space<hbm>>, %arg5: memref<512xf32, #tpu.memory_space<hbm>>, %arg6: memref<8960xf32, #tpu.memory_space<vmem>>, %arg7: memref<8960xi32, #tpu.memory_space<vmem>>, %arg8: memref<48xi32, #tpu.memory_space<vmem>>, %arg9: memref<16xf32, #tpu.memory_space<vmem>>) attributes {dimension_semantics = [#tpu.dimension_semantics<core_parallel>, #tpu.dimension_semantics<subcore_parallel>], iteration_bounds = array<i64: 2, 16>, scalar_prefetch = 0 : i64, scratch_operands = 4 : i64, tpu.core_type = #tpu.core_type<sc_vector_subcore>, window_params = [{transform_indices = #map}, {transform_indices = #map}, {transform_indices = #map}, {transform_indices = #map}]} {
    %mul3A = arith.constant 2 : i32
    %mul3A_0 = arith.muli %arg1, %mul3A : i32
    %add3A = arith.addi %mul3A_0, %arg0 : i32
    %mul3A_1 = arith.constant 8960 : i32
    %mul3A_2 = arith.muli %add3A, %mul3A_1 : i32
    "tpu.region"() ({
      %run_scoped3A = tpu.sem_alloc : memref<!tpu.dma_semaphore, #tpu.memory_space<semaphore_mem>>
      %dma_start3A = tpu.memref_slice %arg2[%mul3A_2] : memref<286720xf32, #tpu.memory_space<hbm>> -> memref<8960xf32, #tpu.memory_space<hbm>>
      %dma_start3A_122 = tpu.memref_slice %arg2[%mul3A_2] : memref<286720xf32, #tpu.memory_space<hbm>> -> memref<8960xf32, #tpu.memory_space<hbm>>
      tpu.enqueue_dma source(%dma_start3A_122 : memref<8960xf32, #tpu.memory_space<hbm>>) target(%arg6 : memref<8960xf32, #tpu.memory_space<vmem>>) target_semaphore(%run_scoped3A : memref<!tpu.dma_semaphore, #tpu.memory_space<semaphore_mem>>)
      %dma_wait3A = tpu.memref_slice %arg2[%mul3A_2] : memref<286720xf32, #tpu.memory_space<hbm>> -> memref<8960xf32, #tpu.memory_space<hbm>>
      %dma_wait3A_123 = tpu.memref_slice %arg2[%mul3A_2] : memref<286720xf32, #tpu.memory_space<hbm>> -> memref<8960xf32, #tpu.memory_space<hbm>>
      tpu.wait_dma2 semaphore(%run_scoped3A : memref<!tpu.dma_semaphore, #tpu.memory_space<semaphore_mem>>) src(%dma_wait3A_123 : memref<8960xf32, #tpu.memory_space<hbm>>) dst(%arg6 : memref<8960xf32, #tpu.memory_space<vmem>>)
      tpu.yield
    }) : () -> ()
    %mul3A_3 = arith.constant 8960 : i32
    %mul3A_4 = arith.muli %add3A, %mul3A_3 : i32
    "tpu.region"() ({
      %run_scoped3A = tpu.sem_alloc : memref<!tpu.dma_semaphore, #tpu.memory_space<semaphore_mem>>
      %dma_start3A = tpu.memref_slice %arg3[%mul3A_4] : memref<286720xi32, #tpu.memory_space<hbm>> -> memref<8960xi32, #tpu.memory_space<hbm>>
      %dma_start3A_122 = tpu.memref_slice %arg3[%mul3A_4] : memref<286720xi32, #tpu.memory_space<hbm>> -> memref<8960xi32, #tpu.memory_space<hbm>>
      tpu.enqueue_dma source(%dma_start3A_122 : memref<8960xi32, #tpu.memory_space<hbm>>) target(%arg7 : memref<8960xi32, #tpu.memory_space<vmem>>) target_semaphore(%run_scoped3A : memref<!tpu.dma_semaphore, #tpu.memory_space<semaphore_mem>>)
      %dma_wait3A = tpu.memref_slice %arg3[%mul3A_4] : memref<286720xi32, #tpu.memory_space<hbm>> -> memref<8960xi32, #tpu.memory_space<hbm>>
      %dma_wait3A_123 = tpu.memref_slice %arg3[%mul3A_4] : memref<286720xi32, #tpu.memory_space<hbm>> -> memref<8960xi32, #tpu.memory_space<hbm>>
      tpu.wait_dma2 semaphore(%run_scoped3A : memref<!tpu.dma_semaphore, #tpu.memory_space<semaphore_mem>>) src(%dma_wait3A_123 : memref<8960xi32, #tpu.memory_space<hbm>>) dst(%arg7 : memref<8960xi32, #tpu.memory_space<vmem>>)
      tpu.yield
    }) : () -> ()
    "tpu.region"() ({
      %run_scoped3A = tpu.sem_alloc : memref<!tpu.dma_semaphore, #tpu.memory_space<semaphore_mem>>
      %dma_start3A = arith.constant 0 : i32
      %dma_start3A_122 = tpu.memref_slice %arg8[%dma_start3A] : memref<48xi32, #tpu.memory_space<vmem>> -> memref<32xi32, #tpu.memory_space<vmem>>
      %dma_start3A_123 = arith.constant 0 : i32
      %dma_start3A_124 = tpu.memref_slice %arg8[%dma_start3A_123] : memref<48xi32, #tpu.memory_space<vmem>> -> memref<32xi32, #tpu.memory_space<vmem>>
      tpu.enqueue_dma source(%arg4 : memref<32xi32, #tpu.memory_space<hbm>>) target(%dma_start3A_124 : memref<32xi32, #tpu.memory_space<vmem>>) target_semaphore(%run_scoped3A : memref<!tpu.dma_semaphore, #tpu.memory_space<semaphore_mem>>)
      %dma_wait3A = arith.constant 0 : i32
      %dma_wait3A_125 = tpu.memref_slice %arg8[%dma_wait3A] : memref<48xi32, #tpu.memory_space<vmem>> -> memref<32xi32, #tpu.memory_space<vmem>>
      %dma_wait3A_126 = arith.constant 0 : i32
      %dma_wait3A_127 = tpu.memref_slice %arg8[%dma_wait3A_126] : memref<48xi32, #tpu.memory_space<vmem>> -> memref<32xi32, #tpu.memory_space<vmem>>
      tpu.wait_dma2 semaphore(%run_scoped3A : memref<!tpu.dma_semaphore, #tpu.memory_space<semaphore_mem>>) src(%arg4 : memref<32xi32, #tpu.memory_space<hbm>>) dst(%dma_wait3A_127 : memref<32xi32, #tpu.memory_space<vmem>>)
      tpu.yield
    }) : () -> ()
    %get3A = arith.index_cast %add3A : i32 to index
    %get3A_5 = tpu.vector_load %arg8[%get3A] {strides = array<i32>} : memref<48xi32, #tpu.memory_space<vmem>>, vector<16xi32>,
    %get3A_6 = vector.shape_cast %get3A_5 : vector<16xi32> to vector<16xi32>
    %slice3A = vector.extract_strided_slice %get3A_6 {offsets = [0], sizes = [1], strides = [1]} : vector<16xi32> to vector<1xi32>
    %squeeze3A = vector.extract %slice3A[0] : i32 from vector<1xi32>
    %mul3A_7 = arith.constant 3 : i32
    %mul3A_8 = arith.muli %mul3A_7, %squeeze3A : i32
    %sub3A = arith.constant 8732 : i32
    %sub3A_9 = arith.subi %sub3A, %squeeze3A : i32
    %min3A = arith.minsi %mul3A_8, %sub3A_9 : i32
    %broadcast_in_dim3A = vector.broadcast %min3A : i32 to vector<16xi32>
    %broadcast_in_dim3A_10 = arith.constant 0 : i32
    %broadcast_in_dim3A_11 = vector.broadcast %broadcast_in_dim3A_10 : i32 to vector<16xi32>
    %broadcast_in_dim3A_12 = arith.constant 2139095040 : i32
    %broadcast_in_dim3A_13 = vector.broadcast %broadcast_in_dim3A_12 : i32 to vector<16xi32>
    %scan3A = arith.constant 0 : i32
    %scan3A_14 = arith.constant 31 : i32
    %scan3A_15 = arith.addi %scan3A, %scan3A_14 : i32
    %scan3A_16 = arith.constant 1 : i32
    %scan3A_17:2 = scf.for %scan3A_122 = %scan3A to %scan3A_15 step %scan3A_16 iter_args(%scan3A_123 = %broadcast_in_dim3A_11, %scan3A_124 = %broadcast_in_dim3A_13) -> (vector<16xi32>, vector<16xi32>)  : i32 {
      %sub3A_125 = arith.subi %scan3A_124, %scan3A_123 : vector<16xi32>
      %shift_right_logical3A = arith.constant 1 : i32
      %shift_right_logical3A_126 = vector.broadcast %shift_right_logical3A : i32 to vector<16xi32>
      %shift_right_logical3A_127 = arith.shrui %sub3A_125, %shift_right_logical3A_126 : vector<16xi32>
      %add3A_128 = arith.addi %scan3A_123, %shift_right_logical3A_127 : vector<16xi32>
      %broadcast_in_dim3A_129 = arith.constant 0 : i32
      %broadcast_in_dim3A_130 = vector.broadcast %broadcast_in_dim3A_129 : i32 to vector<16xi32>
      %scan3A_131 = arith.constant 0 : i32
      %scan3A_132 = arith.constant 70 : i32
      %scan3A_133 = arith.addi %scan3A_131, %scan3A_132 : i32
      %scan3A_134 = arith.constant 1 : i32
      %scan3A_135 = scf.for %scan3A_170 = %scan3A_131 to %scan3A_133 step %scan3A_134 iter_args(%scan3A_171 = %broadcast_in_dim3A_130) -> (vector<16xi32>)  : i32 {
        %mul3A_172 = arith.constant 128 : i32
        %mul3A_173 = arith.muli %scan3A_170, %mul3A_172 : i32
        %add3A_174 = arith.constant 0 : i32
        %add3A_175 = arith.addi %mul3A_173, %add3A_174 : i32
        %get3A_176 = arith.index_cast %add3A_175 : i32 to index
        %get3A_177 = tpu.vector_load %arg7[%get3A_176] {strides = array<i32>} : memref<8960xi32, #tpu.memory_space<vmem>>, vector<16xi32>,
        %get3A_178 = vector.shape_cast %get3A_177 : vector<16xi32> to vector<16xi32>
        %gt3A = arith.cmpi sgt, %get3A_178, %add3A_128 : vector<16xi32>
        %jit3A = arith.constant 1 : i32
        %jit3A_179 = arith.constant 0 : i32
        %broadcast_in_dim3A_180 = vector.broadcast %jit3A : i32 to vector<16xi32>
        %broadcast_in_dim3A_181 = vector.broadcast %jit3A_179 : i32 to vector<16xi32>
        %select_n3A_182 = arith.select %gt3A, %broadcast_in_dim3A_180, %broadcast_in_dim3A_181 : vector<16xi1>, vector<16xi32>
        %add3A_183 = arith.addi %scan3A_171, %select_n3A_182 : vector<16xi32>
        %add3A_184 = arith.constant 16 : i32
        %add3A_185 = arith.addi %mul3A_173, %add3A_184 : i32
        %get3A_186 = arith.index_cast %add3A_185 : i32 to index
        %get3A_187 = tpu.vector_load %arg7[%get3A_186] {strides = array<i32>} : memref<8960xi32, #tpu.memory_space<vmem>>, vector<16xi32>,
        %get3A_188 = vector.shape_cast %get3A_187 : vector<16xi32> to vector<16xi32>
        %gt3A_189 = arith.cmpi sgt, %get3A_188, %add3A_128 : vector<16xi32>
        %jit3A_190 = arith.constant 1 : i32
        %jit3A_191 = arith.constant 0 : i32
        %broadcast_in_dim3A_192 = vector.broadcast %jit3A_190 : i32 to vector<16xi32>
        %broadcast_in_dim3A_193 = vector.broadcast %jit3A_191 : i32 to vector<16xi32>
        %select_n3A_194 = arith.select %gt3A_189, %broadcast_in_dim3A_192, %broadcast_in_dim3A_193 : vector<16xi1>, vector<16xi32>
        %add3A_195 = arith.addi %add3A_183, %select_n3A_194 : vector<16xi32>
        %add3A_196 = arith.constant 32 : i32
        %add3A_197 = arith.addi %mul3A_173, %add3A_196 : i32
        %get3A_198 = arith.index_cast %add3A_197 : i32 to index
        %get3A_199 = tpu.vector_load %arg7[%get3A_198] {strides = array<i32>} : memref<8960xi32, #tpu.memory_space<vmem>>, vector<16xi32>,
        %get3A_200 = vector.shape_cast %get3A_199 : vector<16xi32> to vector<16xi32>
        %gt3A_201 = arith.cmpi sgt, %get3A_200, %add3A_128 : vector<16xi32>
        %jit3A_202 = arith.constant 1 : i32
        %jit3A_203 = arith.constant 0 : i32
        %broadcast_in_dim3A_204 = vector.broadcast %jit3A_202 : i32 to vector<16xi32>
        %broadcast_in_dim3A_205 = vector.broadcast %jit3A_203 : i32 to vector<16xi32>
        %select_n3A_206 = arith.select %gt3A_201, %broadcast_in_dim3A_204, %broadcast_in_dim3A_205 : vector<16xi1>, vector<16xi32>
        %add3A_207 = arith.addi %add3A_195, %select_n3A_206 : vector<16xi32>
        %add3A_208 = arith.constant 48 : i32
        %add3A_209 = arith.addi %mul3A_173, %add3A_208 : i32
        %get3A_210 = arith.index_cast %add3A_209 : i32 to index
        %get3A_211 = tpu.vector_load %arg7[%get3A_210] {strides = array<i32>} : memref<8960xi32, #tpu.memory_space<vmem>>, vector<16xi32>,
        %get3A_212 = vector.shape_cast %get3A_211 : vector<16xi32> to vector<16xi32>
        %gt3A_213 = arith.cmpi sgt, %get3A_212, %add3A_128 : vector<16xi32>
        %jit3A_214 = arith.constant 1 : i32
        %jit3A_215 = arith.constant 0 : i32
        %broadcast_in_dim3A_216 = vector.broadcast %jit3A_214 : i32 to vector<16xi32>
        %broadcast_in_dim3A_217 = vector.broadcast %jit3A_215 : i32 to vector<16xi32>
        %select_n3A_218 = arith.select %gt3A_213, %broadcast_in_dim3A_216, %broadcast_in_dim3A_217 : vector<16xi1>, vector<16xi32>
        %add3A_219 = arith.addi %add3A_207, %select_n3A_218 : vector<16xi32>
        %add3A_220 = arith.constant 64 : i32
        %add3A_221 = arith.addi %mul3A_173, %add3A_220 : i32
        %get3A_222 = arith.index_cast %add3A_221 : i32 to index
        %get3A_223 = tpu.vector_load %arg7[%get3A_222] {strides = array<i32>} : memref<8960xi32, #tpu.memory_space<vmem>>, vector<16xi32>,
        %get3A_224 = vector.shape_cast %get3A_223 : vector<16xi32> to vector<16xi32>
        %gt3A_225 = arith.cmpi sgt, %get3A_224, %add3A_128 : vector<16xi32>
        %jit3A_226 = arith.constant 1 : i32
        %jit3A_227 = arith.constant 0 : i32
        %broadcast_in_dim3A_228 = vector.broadcast %jit3A_226 : i32 to vector<16xi32>
        %broadcast_in_dim3A_229 = vector.broadcast %jit3A_227 : i32 to vector<16xi32>
        %select_n3A_230 = arith.select %gt3A_225, %broadcast_in_dim3A_228, %broadcast_in_dim3A_229 : vector<16xi1>, vector<16xi32>
        %add3A_231 = arith.addi %add3A_219, %select_n3A_230 : vector<16xi32>
        %add3A_232 = arith.constant 80 : i32
        %add3A_233 = arith.addi %mul3A_173, %add3A_232 : i32
        %get3A_234 = arith.index_cast %add3A_233 : i32 to index
        %get3A_235 = tpu.vector_load %arg7[%get3A_234] {strides = array<i32>} : memref<8960xi32, #tpu.memory_space<vmem>>, vector<16xi32>,
        %get3A_236 = vector.shape_cast %get3A_235 : vector<16xi32> to vector<16xi32>
        %gt3A_237 = arith.cmpi sgt, %get3A_236, %add3A_128 : vector<16xi32>
        %jit3A_238 = arith.constant 1 : i32
        %jit3A_239 = arith.constant 0 : i32
        %broadcast_in_dim3A_240 = vector.broadcast %jit3A_238 : i32 to vector<16xi32>
        %broadcast_in_dim3A_241 = vector.broadcast %jit3A_239 : i32 to vector<16xi32>
        %select_n3A_242 = arith.select %gt3A_237, %broadcast_in_dim3A_240, %broadcast_in_dim3A_241 : vector<16xi1>, vector<16xi32>
        %add3A_243 = arith.addi %add3A_231, %select_n3A_242 : vector<16xi32>
        %add3A_244 = arith.constant 96 : i32
        %add3A_245 = arith.addi %mul3A_173, %add3A_244 : i32
        %get3A_246 = arith.index_cast %add3A_245 : i32 to index
        %get3A_247 = tpu.vector_load %arg7[%get3A_246] {strides = array<i32>} : memref<8960xi32, #tpu.memory_space<vmem>>, vector<16xi32>,
        %get3A_248 = vector.shape_cast %get3A_247 : vector<16xi32> to vector<16xi32>
        %gt3A_249 = arith.cmpi sgt, %get3A_248, %add3A_128 : vector<16xi32>
        %jit3A_250 = arith.constant 1 : i32
        %jit3A_251 = arith.constant 0 : i32
        %broadcast_in_dim3A_252 = vector.broadcast %jit3A_250 : i32 to vector<16xi32>
        %broadcast_in_dim3A_253 = vector.broadcast %jit3A_251 : i32 to vector<16xi32>
        %select_n3A_254 = arith.select %gt3A_249, %broadcast_in_dim3A_252, %broadcast_in_dim3A_253 : vector<16xi1>, vector<16xi32>
        %add3A_255 = arith.addi %add3A_243, %select_n3A_254 : vector<16xi32>
        %add3A_256 = arith.constant 112 : i32
        %add3A_257 = arith.addi %mul3A_173, %add3A_256 : i32
        %get3A_258 = arith.index_cast %add3A_257 : i32 to index
        %get3A_259 = tpu.vector_load %arg7[%get3A_258] {strides = array<i32>} : memref<8960xi32, #tpu.memory_space<vmem>>, vector<16xi32>,
        %get3A_260 = vector.shape_cast %get3A_259 : vector<16xi32> to vector<16xi32>
        %gt3A_261 = arith.cmpi sgt, %get3A_260, %add3A_128 : vector<16xi32>
        %jit3A_262 = arith.constant 1 : i32
        %jit3A_263 = arith.constant 0 : i32
        %broadcast_in_dim3A_264 = vector.broadcast %jit3A_262 : i32 to vector<16xi32>
        %broadcast_in_dim3A_265 = vector.broadcast %jit3A_263 : i32 to vector<16xi32>
        %select_n3A_266 = arith.select %gt3A_261, %broadcast_in_dim3A_264, %broadcast_in_dim3A_265 : vector<16xi1>, vector<16xi32>
        %add3A_267 = arith.addi %add3A_255, %select_n3A_266 : vector<16xi32>
        scf.yield %add3A_267 : vector<16xi32>
      }
      %scan3A_136 = arith.constant 70 : i32
      %iota3A_137 = tpu.iota {dimensions = array<i32: 0>} : vector<16xi32>
      %xor3A_138 = arith.constant 8 : i32
      %xor3A_139 = vector.broadcast %xor3A_138 : i32 to vector<16xi32>
      %xor3A_140 = arith.xori %iota3A_137, %xor3A_139 : vector<16xi32>
      %broadcast_in_dim3A_141 = vector.shape_cast %xor3A_140 : vector<16xi32> to vector<16x1xi32>
      %gather3A_142 = vector.shape_cast %broadcast_in_dim3A_141 : vector<16x1xi32> to vector<16xi32>
      %gather3A_143 = tpu.dynamic_gather %scan3A_135[%gather3A_142] in [0] : vector<16xi32>, vector<16xi32> -> vector<16xi32>
      %add3A_144 = arith.addi %scan3A_135, %gather3A_143 : vector<16xi32>
      %xor3A_145 = arith.constant 4 : i32
      %xor3A_146 = vector.broadcast %xor3A_145 : i32 to vector<16xi32>
      %xor3A_147 = arith.xori %iota3A_137, %xor3A_146 : vector<16xi32>
      %broadcast_in_dim3A_148 = vector.shape_cast %xor3A_147 : vector<16xi32> to vector<16x1xi32>
      %gather3A_149 = vector.shape_cast %broadcast_in_dim3A_148 : vector<16x1xi32> to vector<16xi32>
      %gather3A_150 = tpu.dynamic_gather %add3A_144[%gather3A_149] in [0] : vector<16xi32>, vector<16xi32> -> vector<16xi32>
      %add3A_151 = arith.addi %add3A_144, %gather3A_150 : vector<16xi32>
      %xor3A_152 = arith.constant 2 : i32
      %xor3A_153 = vector.broadcast %xor3A_152 : i32 to vector<16xi32>
      %xor3A_154 = arith.xori %iota3A_137, %xor3A_153 : vector<16xi32>
      %broadcast_in_dim3A_155 = vector.shape_cast %xor3A_154 : vector<16xi32> to vector<16x1xi32>
      %gather3A_156 = vector.shape_cast %broadcast_in_dim3A_155 : vector<16x1xi32> to vector<16xi32>
      %gather3A_157 = tpu.dynamic_gather %add3A_151[%gather3A_156] in [0] : vector<16xi32>, vector<16xi32> -> vector<16xi32>
      %add3A_158 = arith.addi %add3A_151, %gather3A_157 : vector<16xi32>
      %xor3A_159 = arith.constant 1 : i32
      %xor3A_160 = vector.broadcast %xor3A_159 : i32 to vector<16xi32>
      %xor3A_161 = arith.xori %iota3A_137, %xor3A_160 : vector<16xi32>
      %broadcast_in_dim3A_162 = vector.shape_cast %xor3A_161 : vector<16xi32> to vector<16x1xi32>
      %gather3A_163 = vector.shape_cast %broadcast_in_dim3A_162 : vector<16x1xi32> to vector<16xi32>
      %gather3A_164 = tpu.dynamic_gather %add3A_158[%gather3A_163] in [0] : vector<16xi32>, vector<16xi32> -> vector<16xi32>
      %add3A_165 = arith.addi %add3A_158, %gather3A_164 : vector<16xi32>
      %lt3A = arith.cmpi slt, %add3A_165, %broadcast_in_dim3A : vector<16xi32>
      %add3A_166 = arith.constant 1 : i32
      %add3A_167 = vector.broadcast %add3A_166 : i32 to vector<16xi32>
      %add3A_168 = arith.addi %add3A_128, %add3A_167 : vector<16xi32>
      %select_n3A = arith.select %lt3A, %scan3A_123, %add3A_168 : vector<16xi1>, vector<16xi32>
      %select_n3A_169 = arith.select %lt3A, %add3A_128, %scan3A_124 : vector<16xi1>, vector<16xi32>
      scf.yield %select_n3A, %select_n3A_169 : vector<16xi32>, vector<16xi32>
    }
    %scan3A_18 = arith.constant 31 : i32
    %broadcast_in_dim3A_19 = arith.constant 0 : i32
    %broadcast_in_dim3A_20 = vector.broadcast %broadcast_in_dim3A_19 : i32 to vector<16xi32>
    %broadcast_in_dim3A_21 = arith.constant 0.000000e+00 : f32
    %broadcast_in_dim3A_22 = vector.broadcast %broadcast_in_dim3A_21 : f32 to vector<16xf32>
    %broadcast_in_dim3A_23 = arith.constant 0.000000e+00 : f32
    %broadcast_in_dim3A_24 = vector.broadcast %broadcast_in_dim3A_23 : f32 to vector<16xf32>
    %scan3A_25 = arith.constant 0 : i32
    %scan3A_26 = arith.constant 70 : i32
    %scan3A_27 = arith.addi %scan3A_25, %scan3A_26 : i32
    %scan3A_28 = arith.constant 1 : i32
    %scan3A_29:3 = scf.for %scan3A_122 = %scan3A_25 to %scan3A_27 step %scan3A_28 iter_args(%scan3A_123 = %broadcast_in_dim3A_20, %scan3A_124 = %broadcast_in_dim3A_22, %scan3A_125 = %broadcast_in_dim3A_24) -> (vector<16xi32>, vector<16xf32>, vector<16xf32>)  : i32 {
      %mul3A_126 = arith.constant 128 : i32
      %mul3A_127 = arith.muli %scan3A_122, %mul3A_126 : i32
      %add3A_128 = arith.constant 0 : i32
      %add3A_129 = arith.addi %mul3A_127, %add3A_128 : i32
      %get3A_130 = arith.index_cast %add3A_129 : i32 to index
      %get3A_131 = tpu.vector_load %arg7[%get3A_130] {strides = array<i32>} : memref<8960xi32, #tpu.memory_space<vmem>>, vector<16xi32>,
      %get3A_132 = vector.shape_cast %get3A_131 : vector<16xi32> to vector<16xi32>
      %add3A_133 = arith.constant 0 : i32
      %add3A_134 = arith.addi %mul3A_127, %add3A_133 : i32
      %get3A_135 = arith.index_cast %add3A_134 : i32 to index
      %get3A_136 = tpu.vector_load %arg6[%get3A_135] {strides = array<i32>} : memref<8960xf32, #tpu.memory_space<vmem>>, vector<16xf32>,
      %get3A_137 = vector.shape_cast %get3A_136 : vector<16xf32> to vector<16xf32>
      %gt3A = arith.cmpi sgt, %get3A_132, %scan3A_17#0 : vector<16xi32>
      %jit3A = arith.constant 1 : i32
      %jit3A_138 = arith.constant 0 : i32
      %broadcast_in_dim3A_139 = vector.broadcast %jit3A : i32 to vector<16xi32>
      %broadcast_in_dim3A_140 = vector.broadcast %jit3A_138 : i32 to vector<16xi32>
      %select_n3A = arith.select %gt3A, %broadcast_in_dim3A_139, %broadcast_in_dim3A_140 : vector<16xi1>, vector<16xi32>
      %add3A_141 = arith.addi %scan3A_123, %select_n3A : vector<16xi32>
      %jit3A_142 = arith.constant 0.000000e+00 : f32
      %broadcast_in_dim3A_143 = vector.broadcast %jit3A_142 : f32 to vector<16xf32>
      %select_n3A_144 = arith.select %gt3A, %get3A_137, %broadcast_in_dim3A_143 : vector<16xi1>, vector<16xf32>
      %add3A_145 = arith.addf %scan3A_124, %select_n3A_144 : vector<16xf32>
      %jit3A_146 = arith.constant 0.000000e+00 : f32
      %broadcast_in_dim3A_147 = vector.broadcast %jit3A_146 : f32 to vector<16xf32>
      %select_n3A_148 = arith.select %gt3A, %broadcast_in_dim3A_147, %get3A_137 : vector<16xi1>, vector<16xf32>
      %max3A_149 = arith.maximumf %scan3A_125, %select_n3A_148 : vector<16xf32>
      %add3A_150 = arith.constant 16 : i32
      %add3A_151 = arith.addi %mul3A_127, %add3A_150 : i32
      %get3A_152 = arith.index_cast %add3A_151 : i32 to index
      %get3A_153 = tpu.vector_load %arg7[%get3A_152] {strides = array<i32>} : memref<8960xi32, #tpu.memory_space<vmem>>, vector<16xi32>,
      %get3A_154 = vector.shape_cast %get3A_153 : vector<16xi32> to vector<16xi32>
      %add3A_155 = arith.constant 16 : i32
      %add3A_156 = arith.addi %mul3A_127, %add3A_155 : i32
      %get3A_157 = arith.index_cast %add3A_156 : i32 to index
      %get3A_158 = tpu.vector_load %arg6[%get3A_157] {strides = array<i32>} : memref<8960xf32, #tpu.memory_space<vmem>>, vector<16xf32>,
      %get3A_159 = vector.shape_cast %get3A_158 : vector<16xf32> to vector<16xf32>
      %gt3A_160 = arith.cmpi sgt, %get3A_154, %scan3A_17#0 : vector<16xi32>
      %jit3A_161 = arith.constant 1 : i32
      %jit3A_162 = arith.constant 0 : i32
      %broadcast_in_dim3A_163 = vector.broadcast %jit3A_161 : i32 to vector<16xi32>
      %broadcast_in_dim3A_164 = vector.broadcast %jit3A_162 : i32 to vector<16xi32>
      %select_n3A_165 = arith.select %gt3A_160, %broadcast_in_dim3A_163, %broadcast_in_dim3A_164 : vector<16xi1>, vector<16xi32>
      %add3A_166 = arith.addi %add3A_141, %select_n3A_165 : vector<16xi32>
      %jit3A_167 = arith.constant 0.000000e+00 : f32
      %broadcast_in_dim3A_168 = vector.broadcast %jit3A_167 : f32 to vector<16xf32>
      %select_n3A_169 = arith.select %gt3A_160, %get3A_159, %broadcast_in_dim3A_168 : vector<16xi1>, vector<16xf32>
      %add3A_170 = arith.addf %add3A_145, %select_n3A_169 : vector<16xf32>
      %jit3A_171 = arith.constant 0.000000e+00 : f32
      %broadcast_in_dim3A_172 = vector.broadcast %jit3A_171 : f32 to vector<16xf32>
      %select_n3A_173 = arith.select %gt3A_160, %broadcast_in_dim3A_172, %get3A_159 : vector<16xi1>, vector<16xf32>
      %max3A_174 = arith.maximumf %max3A_149, %select_n3A_173 : vector<16xf32>
      %add3A_175 = arith.constant 32 : i32
      %add3A_176 = arith.addi %mul3A_127, %add3A_175 : i32
      %get3A_177 = arith.index_cast %add3A_176 : i32 to index
      %get3A_178 = tpu.vector_load %arg7[%get3A_177] {strides = array<i32>} : memref<8960xi32, #tpu.memory_space<vmem>>, vector<16xi32>,
      %get3A_179 = vector.shape_cast %get3A_178 : vector<16xi32> to vector<16xi32>
      %add3A_180 = arith.constant 32 : i32
      %add3A_181 = arith.addi %mul3A_127, %add3A_180 : i32
      %get3A_182 = arith.index_cast %add3A_181 : i32 to index
      %get3A_183 = tpu.vector_load %arg6[%get3A_182] {strides = array<i32>} : memref<8960xf32, #tpu.memory_space<vmem>>, vector<16xf32>,
      %get3A_184 = vector.shape_cast %get3A_183 : vector<16xf32> to vector<16xf32>
      %gt3A_185 = arith.cmpi sgt, %get3A_179, %scan3A_17#0 : vector<16xi32>
      %jit3A_186 = arith.constant 1 : i32
      %jit3A_187 = arith.constant 0 : i32
      %broadcast_in_dim3A_188 = vector.broadcast %jit3A_186 : i32 to vector<16xi32>
      %broadcast_in_dim3A_189 = vector.broadcast %jit3A_187 : i32 to vector<16xi32>
      %select_n3A_190 = arith.select %gt3A_185, %broadcast_in_dim3A_188, %broadcast_in_dim3A_189 : vector<16xi1>, vector<16xi32>
      %add3A_191 = arith.addi %add3A_166, %select_n3A_190 : vector<16xi32>
      %jit3A_192 = arith.constant 0.000000e+00 : f32
      %broadcast_in_dim3A_193 = vector.broadcast %jit3A_192 : f32 to vector<16xf32>
      %select_n3A_194 = arith.select %gt3A_185, %get3A_184, %broadcast_in_dim3A_193 : vector<16xi1>, vector<16xf32>
      %add3A_195 = arith.addf %add3A_170, %select_n3A_194 : vector<16xf32>
      %jit3A_196 = arith.constant 0.000000e+00 : f32
      %broadcast_in_dim3A_197 = vector.broadcast %jit3A_196 : f32 to vector<16xf32>
      %select_n3A_198 = arith.select %gt3A_185, %broadcast_in_dim3A_197, %get3A_184 : vector<16xi1>, vector<16xf32>
      %max3A_199 = arith.maximumf %max3A_174, %select_n3A_198 : vector<16xf32>
      %add3A_200 = arith.constant 48 : i32
      %add3A_201 = arith.addi %mul3A_127, %add3A_200 : i32
      %get3A_202 = arith.index_cast %add3A_201 : i32 to index
      %get3A_203 = tpu.vector_load %arg7[%get3A_202] {strides = array<i32>} : memref<8960xi32, #tpu.memory_space<vmem>>, vector<16xi32>,
      %get3A_204 = vector.shape_cast %get3A_203 : vector<16xi32> to vector<16xi32>
      %add3A_205 = arith.constant 48 : i32
      %add3A_206 = arith.addi %mul3A_127, %add3A_205 : i32
      %get3A_207 = arith.index_cast %add3A_206 : i32 to index
      %get3A_208 = tpu.vector_load %arg6[%get3A_207] {strides = array<i32>} : memref<8960xf32, #tpu.memory_space<vmem>>, vector<16xf32>,
      %get3A_209 = vector.shape_cast %get3A_208 : vector<16xf32> to vector<16xf32>
      %gt3A_210 = arith.cmpi sgt, %get3A_204, %scan3A_17#0 : vector<16xi32>
      %jit3A_211 = arith.constant 1 : i32
      %jit3A_212 = arith.constant 0 : i32
      %broadcast_in_dim3A_213 = vector.broadcast %jit3A_211 : i32 to vector<16xi32>
      %broadcast_in_dim3A_214 = vector.broadcast %jit3A_212 : i32 to vector<16xi32>
      %select_n3A_215 = arith.select %gt3A_210, %broadcast_in_dim3A_213, %broadcast_in_dim3A_214 : vector<16xi1>, vector<16xi32>
      %add3A_216 = arith.addi %add3A_191, %select_n3A_215 : vector<16xi32>
      %jit3A_217 = arith.constant 0.000000e+00 : f32
      %broadcast_in_dim3A_218 = vector.broadcast %jit3A_217 : f32 to vector<16xf32>
      %select_n3A_219 = arith.select %gt3A_210, %get3A_209, %broadcast_in_dim3A_218 : vector<16xi1>, vector<16xf32>
      %add3A_220 = arith.addf %add3A_195, %select_n3A_219 : vector<16xf32>
      %jit3A_221 = arith.constant 0.000000e+00 : f32
      %broadcast_in_dim3A_222 = vector.broadcast %jit3A_221 : f32 to vector<16xf32>
      %select_n3A_223 = arith.select %gt3A_210, %broadcast_in_dim3A_222, %get3A_209 : vector<16xi1>, vector<16xf32>
      %max3A_224 = arith.maximumf %max3A_199, %select_n3A_223 : vector<16xf32>
      %add3A_225 = arith.constant 64 : i32
      %add3A_226 = arith.addi %mul3A_127, %add3A_225 : i32
      %get3A_227 = arith.index_cast %add3A_226 : i32 to index
      %get3A_228 = tpu.vector_load %arg7[%get3A_227] {strides = array<i32>} : memref<8960xi32, #tpu.memory_space<vmem>>, vector<16xi32>,
      %get3A_229 = vector.shape_cast %get3A_228 : vector<16xi32> to vector<16xi32>
      %add3A_230 = arith.constant 64 : i32
      %add3A_231 = arith.addi %mul3A_127, %add3A_230 : i32
      %get3A_232 = arith.index_cast %add3A_231 : i32 to index
      %get3A_233 = tpu.vector_load %arg6[%get3A_232] {strides = array<i32>} : memref<8960xf32, #tpu.memory_space<vmem>>, vector<16xf32>,
      %get3A_234 = vector.shape_cast %get3A_233 : vector<16xf32> to vector<16xf32>
      %gt3A_235 = arith.cmpi sgt, %get3A_229, %scan3A_17#0 : vector<16xi32>
      %jit3A_236 = arith.constant 1 : i32
      %jit3A_237 = arith.constant 0 : i32
      %broadcast_in_dim3A_238 = vector.broadcast %jit3A_236 : i32 to vector<16xi32>
      %broadcast_in_dim3A_239 = vector.broadcast %jit3A_237 : i32 to vector<16xi32>
      %select_n3A_240 = arith.select %gt3A_235, %broadcast_in_dim3A_238, %broadcast_in_dim3A_239 : vector<16xi1>, vector<16xi32>
      %add3A_241 = arith.addi %add3A_216, %select_n3A_240 : vector<16xi32>
      %jit3A_242 = arith.constant 0.000000e+00 : f32
      %broadcast_in_dim3A_243 = vector.broadcast %jit3A_242 : f32 to vector<16xf32>
      %select_n3A_244 = arith.select %gt3A_235, %get3A_234, %broadcast_in_dim3A_243 : vector<16xi1>, vector<16xf32>
      %add3A_245 = arith.addf %add3A_220, %select_n3A_244 : vector<16xf32>
      %jit3A_246 = arith.constant 0.000000e+00 : f32
      %broadcast_in_dim3A_247 = vector.broadcast %jit3A_246 : f32 to vector<16xf32>
      %select_n3A_248 = arith.select %gt3A_235, %broadcast_in_dim3A_247, %get3A_234 : vector<16xi1>, vector<16xf32>
      %max3A_249 = arith.maximumf %max3A_224, %select_n3A_248 : vector<16xf32>
      %add3A_250 = arith.constant 80 : i32
      %add3A_251 = arith.addi %mul3A_127, %add3A_250 : i32
      %get3A_252 = arith.index_cast %add3A_251 : i32 to index
      %get3A_253 = tpu.vector_load %arg7[%get3A_252] {strides = array<i32>} : memref<8960xi32, #tpu.memory_space<vmem>>, vector<16xi32>,
      %get3A_254 = vector.shape_cast %get3A_253 : vector<16xi32> to vector<16xi32>
      %add3A_255 = arith.constant 80 : i32
      %add3A_256 = arith.addi %mul3A_127, %add3A_255 : i32
      %get3A_257 = arith.index_cast %add3A_256 : i32 to index
      %get3A_258 = tpu.vector_load %arg6[%get3A_257] {strides = array<i32>} : memref<8960xf32, #tpu.memory_space<vmem>>, vector<16xf32>,
      %get3A_259 = vector.shape_cast %get3A_258 : vector<16xf32> to vector<16xf32>
      %gt3A_260 = arith.cmpi sgt, %get3A_254, %scan3A_17#0 : vector<16xi32>
      %jit3A_261 = arith.constant 1 : i32
      %jit3A_262 = arith.constant 0 : i32
      %broadcast_in_dim3A_263 = vector.broadcast %jit3A_261 : i32 to vector<16xi32>
      %broadcast_in_dim3A_264 = vector.broadcast %jit3A_262 : i32 to vector<16xi32>
      %select_n3A_265 = arith.select %gt3A_260, %broadcast_in_dim3A_263, %broadcast_in_dim3A_264 : vector<16xi1>, vector<16xi32>
      %add3A_266 = arith.addi %add3A_241, %select_n3A_265 : vector<16xi32>
      %jit3A_267 = arith.constant 0.000000e+00 : f32
      %broadcast_in_dim3A_268 = vector.broadcast %jit3A_267 : f32 to vector<16xf32>
      %select_n3A_269 = arith.select %gt3A_260, %get3A_259, %broadcast_in_dim3A_268 : vector<16xi1>, vector<16xf32>
      %add3A_270 = arith.addf %add3A_245, %select_n3A_269 : vector<16xf32>
      %jit3A_271 = arith.constant 0.000000e+00 : f32
      %broadcast_in_dim3A_272 = vector.broadcast %jit3A_271 : f32 to vector<16xf32>
      %select_n3A_273 = arith.select %gt3A_260, %broadcast_in_dim3A_272, %get3A_259 : vector<16xi1>, vector<16xf32>
      %max3A_274 = arith.maximumf %max3A_249, %select_n3A_273 : vector<16xf32>
      %add3A_275 = arith.constant 96 : i32
      %add3A_276 = arith.addi %mul3A_127, %add3A_275 : i32
      %get3A_277 = arith.index_cast %add3A_276 : i32 to index
      %get3A_278 = tpu.vector_load %arg7[%get3A_277] {strides = array<i32>} : memref<8960xi32, #tpu.memory_space<vmem>>, vector<16xi32>,
      %get3A_279 = vector.shape_cast %get3A_278 : vector<16xi32> to vector<16xi32>
      %add3A_280 = arith.constant 96 : i32
      %add3A_281 = arith.addi %mul3A_127, %add3A_280 : i32
      %get3A_282 = arith.index_cast %add3A_281 : i32 to index
      %get3A_283 = tpu.vector_load %arg6[%get3A_282] {strides = array<i32>} : memref<8960xf32, #tpu.memory_space<vmem>>, vector<16xf32>,
      %get3A_284 = vector.shape_cast %get3A_283 : vector<16xf32> to vector<16xf32>
      %gt3A_285 = arith.cmpi sgt, %get3A_279, %scan3A_17#0 : vector<16xi32>
      %jit3A_286 = arith.constant 1 : i32
      %jit3A_287 = arith.constant 0 : i32
      %broadcast_in_dim3A_288 = vector.broadcast %jit3A_286 : i32 to vector<16xi32>
      %broadcast_in_dim3A_289 = vector.broadcast %jit3A_287 : i32 to vector<16xi32>
      %select_n3A_290 = arith.select %gt3A_285, %broadcast_in_dim3A_288, %broadcast_in_dim3A_289 : vector<16xi1>, vector<16xi32>
      %add3A_291 = arith.addi %add3A_266, %select_n3A_290 : vector<16xi32>
      %jit3A_292 = arith.constant 0.000000e+00 : f32
      %broadcast_in_dim3A_293 = vector.broadcast %jit3A_292 : f32 to vector<16xf32>
      %select_n3A_294 = arith.select %gt3A_285, %get3A_284, %broadcast_in_dim3A_293 : vector<16xi1>, vector<16xf32>
      %add3A_295 = arith.addf %add3A_270, %select_n3A_294 : vector<16xf32>
      %jit3A_296 = arith.constant 0.000000e+00 : f32
      %broadcast_in_dim3A_297 = vector.broadcast %jit3A_296 : f32 to vector<16xf32>
      %select_n3A_298 = arith.select %gt3A_285, %broadcast_in_dim3A_297, %get3A_284 : vector<16xi1>, vector<16xf32>
      %max3A_299 = arith.maximumf %max3A_274, %select_n3A_298 : vector<16xf32>
      %add3A_300 = arith.constant 112 : i32
      %add3A_301 = arith.addi %mul3A_127, %add3A_300 : i32
      %get3A_302 = arith.index_cast %add3A_301 : i32 to index
      %get3A_303 = tpu.vector_load %arg7[%get3A_302] {strides = array<i32>} : memref<8960xi32, #tpu.memory_space<vmem>>, vector<16xi32>,
      %get3A_304 = vector.shape_cast %get3A_303 : vector<16xi32> to vector<16xi32>
      %add3A_305 = arith.constant 112 : i32
      %add3A_306 = arith.addi %mul3A_127, %add3A_305 : i32
      %get3A_307 = arith.index_cast %add3A_306 : i32 to index
      %get3A_308 = tpu.vector_load %arg6[%get3A_307] {strides = array<i32>} : memref<8960xf32, #tpu.memory_space<vmem>>, vector<16xf32>,
      %get3A_309 = vector.shape_cast %get3A_308 : vector<16xf32> to vector<16xf32>
      %gt3A_310 = arith.cmpi sgt, %get3A_304, %scan3A_17#0 : vector<16xi32>
      %jit3A_311 = arith.constant 1 : i32
      %jit3A_312 = arith.constant 0 : i32
      %broadcast_in_dim3A_313 = vector.broadcast %jit3A_311 : i32 to vector<16xi32>
      %broadcast_in_dim3A_314 = vector.broadcast %jit3A_312 : i32 to vector<16xi32>
      %select_n3A_315 = arith.select %gt3A_310, %broadcast_in_dim3A_313, %broadcast_in_dim3A_314 : vector<16xi1>, vector<16xi32>
      %add3A_316 = arith.addi %add3A_291, %select_n3A_315 : vector<16xi32>
      %jit3A_317 = arith.constant 0.000000e+00 : f32
      %broadcast_in_dim3A_318 = vector.broadcast %jit3A_317 : f32 to vector<16xf32>
      %select_n3A_319 = arith.select %gt3A_310, %get3A_309, %broadcast_in_dim3A_318 : vector<16xi1>, vector<16xf32>
      %add3A_320 = arith.addf %add3A_295, %select_n3A_319 : vector<16xf32>
      %jit3A_321 = arith.constant 0.000000e+00 : f32
      %broadcast_in_dim3A_322 = vector.broadcast %jit3A_321 : f32 to vector<16xf32>
      %select_n3A_323 = arith.select %gt3A_310, %broadcast_in_dim3A_322, %get3A_309 : vector<16xi1>, vector<16xf32>
      %max3A_324 = arith.maximumf %max3A_299, %select_n3A_323 : vector<16xf32>
      scf.yield %add3A_316, %add3A_320, %max3A_324 : vector<16xi32>, vector<16xf32>, vector<16xf32>
    }
    %scan3A_30 = arith.constant 70 : i32
    %iota3A = tpu.iota {dimensions = array<i32: 0>} : vector<16xi32>
    %xor3A = arith.constant 8 : i32
    %xor3A_31 = vector.broadcast %xor3A : i32 to vector<16xi32>
    %xor3A_32 = arith.xori %iota3A, %xor3A_31 : vector<16xi32>
    %broadcast_in_dim3A_33 = vector.shape_cast %xor3A_32 : vector<16xi32> to vector<16x1xi32>
    %gather3A = vector.shape_cast %broadcast_in_dim3A_33 : vector<16x1xi32> to vector<16xi32>
    %gather3A_34 = tpu.dynamic_gather %scan3A_29#0[%gather3A] in [0] : vector<16xi32>, vector<16xi32> -> vector<16xi32>
    %add3A_35 = arith.addi %scan3A_29#0, %gather3A_34 : vector<16xi32>
    %xor3A_36 = arith.constant 4 : i32
    %xor3A_37 = vector.broadcast %xor3A_36 : i32 to vector<16xi32>
    %xor3A_38 = arith.xori %iota3A, %xor3A_37 : vector<16xi32>
    %broadcast_in_dim3A_39 = vector.shape_cast %xor3A_38 : vector<16xi32> to vector<16x1xi32>
    %gather3A_40 = vector.shape_cast %broadcast_in_dim3A_39 : vector<16x1xi32> to vector<16xi32>
    %gather3A_41 = tpu.dynamic_gather %add3A_35[%gather3A_40] in [0] : vector<16xi32>, vector<16xi32> -> vector<16xi32>
    %add3A_42 = arith.addi %add3A_35, %gather3A_41 : vector<16xi32>
    %xor3A_43 = arith.constant 2 : i32
    %xor3A_44 = vector.broadcast %xor3A_43 : i32 to vector<16xi32>
    %xor3A_45 = arith.xori %iota3A, %xor3A_44 : vector<16xi32>
    %broadcast_in_dim3A_46 = vector.shape_cast %xor3A_45 : vector<16xi32> to vector<16x1xi32>
    %gather3A_47 = vector.shape_cast %broadcast_in_dim3A_46 : vector<16x1xi32> to vector<16xi32>
    %gather3A_48 = tpu.dynamic_gather %add3A_42[%gather3A_47] in [0] : vector<16xi32>, vector<16xi32> -> vector<16xi32>
    %add3A_49 = arith.addi %add3A_42, %gather3A_48 : vector<16xi32>
    %xor3A_50 = arith.constant 1 : i32
    %xor3A_51 = vector.broadcast %xor3A_50 : i32 to vector<16xi32>
    %xor3A_52 = arith.xori %iota3A, %xor3A_51 : vector<16xi32>
    %broadcast_in_dim3A_53 = vector.shape_cast %xor3A_52 : vector<16xi32> to vector<16x1xi32>
    %gather3A_54 = vector.shape_cast %broadcast_in_dim3A_53 : vector<16x1xi32> to vector<16xi32>
    %gather3A_55 = tpu.dynamic_gather %add3A_49[%gather3A_54] in [0] : vector<16xi32>, vector<16xi32> -> vector<16xi32>
    %add3A_56 = arith.addi %add3A_49, %gather3A_55 : vector<16xi32>
    %iota3A_57 = tpu.iota {dimensions = array<i32: 0>} : vector<16xi32>
    %xor3A_58 = arith.constant 8 : i32
    %xor3A_59 = vector.broadcast %xor3A_58 : i32 to vector<16xi32>
    %xor3A_60 = arith.xori %iota3A_57, %xor3A_59 : vector<16xi32>
    %broadcast_in_dim3A_61 = vector.shape_cast %xor3A_60 : vector<16xi32> to vector<16x1xi32>
    %gather3A_62 = vector.shape_cast %broadcast_in_dim3A_61 : vector<16x1xi32> to vector<16xi32>
    %gather3A_63 = tpu.dynamic_gather %scan3A_29#1[%gather3A_62] in [0] : vector<16xf32>, vector<16xi32> -> vector<16xf32>
    %add3A_64 = arith.addf %scan3A_29#1, %gather3A_63 : vector<16xf32>
    %xor3A_65 = arith.constant 4 : i32
    %xor3A_66 = vector.broadcast %xor3A_65 : i32 to vector<16xi32>
    %xor3A_67 = arith.xori %iota3A_57, %xor3A_66 : vector<16xi32>
    %broadcast_in_dim3A_68 = vector.shape_cast %xor3A_67 : vector<16xi32> to vector<16x1xi32>
    %gather3A_69 = vector.shape_cast %broadcast_in_dim3A_68 : vector<16x1xi32> to vector<16xi32>
    %gather3A_70 = tpu.dynamic_gather %add3A_64[%gather3A_69] in [0] : vector<16xf32>, vector<16xi32> -> vector<16xf32>
    %add3A_71 = arith.addf %add3A_64, %gather3A_70 : vector<16xf32>
    %xor3A_72 = arith.constant 2 : i32
    %xor3A_73 = vector.broadcast %xor3A_72 : i32 to vector<16xi32>
    %xor3A_74 = arith.xori %iota3A_57, %xor3A_73 : vector<16xi32>
    %broadcast_in_dim3A_75 = vector.shape_cast %xor3A_74 : vector<16xi32> to vector<16x1xi32>
    %gather3A_76 = vector.shape_cast %broadcast_in_dim3A_75 : vector<16x1xi32> to vector<16xi32>
    %gather3A_77 = tpu.dynamic_gather %add3A_71[%gather3A_76] in [0] : vector<16xf32>, vector<16xi32> -> vector<16xf32>
    %add3A_78 = arith.addf %add3A_71, %gather3A_77 : vector<16xf32>
    %xor3A_79 = arith.constant 1 : i32
    %xor3A_80 = vector.broadcast %xor3A_79 : i32 to vector<16xi32>
    %xor3A_81 = arith.xori %iota3A_57, %xor3A_80 : vector<16xi32>
    %broadcast_in_dim3A_82 = vector.shape_cast %xor3A_81 : vector<16xi32> to vector<16x1xi32>
    %gather3A_83 = vector.shape_cast %broadcast_in_dim3A_82 : vector<16x1xi32> to vector<16xi32>
    %gather3A_84 = tpu.dynamic_gather %add3A_78[%gather3A_83] in [0] : vector<16xf32>, vector<16xi32> -> vector<16xf32>
    %add3A_85 = arith.addf %add3A_78, %gather3A_84 : vector<16xf32>
    %iota3A_86 = tpu.iota {dimensions = array<i32: 0>} : vector<16xi32>
    %xor3A_87 = arith.constant 8 : i32
    %xor3A_88 = vector.broadcast %xor3A_87 : i32 to vector<16xi32>
    %xor3A_89 = arith.xori %iota3A_86, %xor3A_88 : vector<16xi32>
    %broadcast_in_dim3A_90 = vector.shape_cast %xor3A_89 : vector<16xi32> to vector<16x1xi32>
    %gather3A_91 = vector.shape_cast %broadcast_in_dim3A_90 : vector<16x1xi32> to vector<16xi32>
    %gather3A_92 = tpu.dynamic_gather %scan3A_29#2[%gather3A_91] in [0] : vector<16xf32>, vector<16xi32> -> vector<16xf32>
    %max3A = arith.maximumf %scan3A_29#2, %gather3A_92 : vector<16xf32>
    %xor3A_93 = arith.constant 4 : i32
    %xor3A_94 = vector.broadcast %xor3A_93 : i32 to vector<16xi32>
    %xor3A_95 = arith.xori %iota3A_86, %xor3A_94 : vector<16xi32>
    %broadcast_in_dim3A_96 = vector.shape_cast %xor3A_95 : vector<16xi32> to vector<16x1xi32>
    %gather3A_97 = vector.shape_cast %broadcast_in_dim3A_96 : vector<16x1xi32> to vector<16xi32>
    %gather3A_98 = tpu.dynamic_gather %max3A[%gather3A_97] in [0] : vector<16xf32>, vector<16xi32> -> vector<16xf32>
    %max3A_99 = arith.maximumf %max3A, %gather3A_98 : vector<16xf32>
    %xor3A_100 = arith.constant 2 : i32
    %xor3A_101 = vector.broadcast %xor3A_100 : i32 to vector<16xi32>
    %xor3A_102 = arith.xori %iota3A_86, %xor3A_101 : vector<16xi32>
    %broadcast_in_dim3A_103 = vector.shape_cast %xor3A_102 : vector<16xi32> to vector<16x1xi32>
    %gather3A_104 = vector.shape_cast %broadcast_in_dim3A_103 : vector<16x1xi32> to vector<16xi32>
    %gather3A_105 = tpu.dynamic_gather %max3A_99[%gather3A_104] in [0] : vector<16xf32>, vector<16xi32> -> vector<16xf32>
    %max3A_106 = arith.maximumf %max3A_99, %gather3A_105 : vector<16xf32>
    %xor3A_107 = arith.constant 1 : i32
    %xor3A_108 = vector.broadcast %xor3A_107 : i32 to vector<16xi32>
    %xor3A_109 = arith.xori %iota3A_86, %xor3A_108 : vector<16xi32>
    %broadcast_in_dim3A_110 = vector.shape_cast %xor3A_109 : vector<16xi32> to vector<16x1xi32>
    %gather3A_111 = vector.shape_cast %broadcast_in_dim3A_110 : vector<16x1xi32> to vector<16xi32>
    %gather3A_112 = tpu.dynamic_gather %max3A_106[%gather3A_111] in [0] : vector<16xf32>, vector<16xi32> -> vector<16xf32>
    %max3A_113 = arith.maximumf %max3A_106, %gather3A_112 : vector<16xf32>
    %sub3A_114 = arith.subi %broadcast_in_dim3A, %add3A_56 : vector<16xi32>
    %convert_element_type3A = arith.sitofp %sub3A_114 : vector<16xi32> to vector<16xf32>
    %mul3A_115 = arith.mulf %convert_element_type3A, %max3A_113 : vector<16xf32>
    %add3A_116 = arith.addf %add3A_85, %mul3A_115 : vector<16xf32>
    %swap3A = arith.constant 0 : index
    %swap3A_117 = tpu.vector_load %arg9[%swap3A] {strides = array<i32>} : memref<16xf32, #tpu.memory_space<vmem>>, vector<16xf32>,
    %swap3A_118 = vector.shape_cast %swap3A_117 : vector<16xf32> to vector<16xf32>
    %swap3A_119 = vector.shape_cast %add3A_116 : vector<16xf32> to vector<16xf32>
    tpu.vector_store %arg9[%swap3A], %swap3A_119 {strides = array<i32>} : memref<16xf32, #tpu.memory_space<vmem>>, vector<16xf32>,
    %mul3A_120 = arith.constant 16 : i32
    %mul3A_121 = arith.muli %add3A, %mul3A_120 : i32
    "tpu.region"() ({
      %run_scoped3A = tpu.sem_alloc : memref<!tpu.dma_semaphore, #tpu.memory_space<semaphore_mem>>
      %dma_start3A = tpu.memref_slice %arg5[%mul3A_121] : memref<512xf32, #tpu.memory_space<hbm>> -> memref<16xf32, #tpu.memory_space<hbm>>
      %dma_start3A_122 = tpu.memref_slice %arg5[%mul3A_121] : memref<512xf32, #tpu.memory_space<hbm>> -> memref<16xf32, #tpu.memory_space<hbm>>
      tpu.enqueue_dma source(%arg9 : memref<16xf32, #tpu.memory_space<vmem>>) target(%dma_start3A_122 : memref<16xf32, #tpu.memory_space<hbm>>) target_semaphore(%run_scoped3A : memref<!tpu.dma_semaphore, #tpu.memory_space<semaphore_mem>>)
      %dma_wait3A = tpu.memref_slice %arg5[%mul3A_121] : memref<512xf32, #tpu.memory_space<hbm>> -> memref<16xf32, #tpu.memory_space<hbm>>
      %dma_wait3A_123 = tpu.memref_slice %arg5[%mul3A_121] : memref<512xf32, #tpu.memory_space<hbm>> -> memref<16xf32, #tpu.memory_space<hbm>>
      tpu.wait_dma2 semaphore(%run_scoped3A : memref<!tpu.dma_semaphore, #tpu.memory_space<semaphore_mem>>) src(%arg9 : memref<16xf32, #tpu.memory_space<vmem>>) dst(%dma_wait3A_123 : memref<16xf32, #tpu.memory_space<hbm>>)
      tpu.yield
    }) : () -> ()
    return
  }
}

module attributes {stable_mosaic.version = 14 : i64} {
  func.func @_stage1_body(%arg0: i32, %arg1: memref<1x21x8732xbf16, #tpu.memory_space<vmem>>, %arg2: memref<32x8732xi32, #tpu.memory_space<vmem>>, %arg3: memref<1x4x8732xbf16, #tpu.memory_space<vmem>>, %arg4: memref<1x4x8732xbf16, #tpu.memory_space<vmem>>, %arg5: memref<32x8960xf32, #tpu.memory_space<vmem>>, %arg6: memref<32x8960xi32, #tpu.memory_space<vmem>>, %arg7: memref<1x1xf32, #tpu.memory_space<vmem>>, %arg8: memref<32x1xi32, #tpu.memory_space<vmem>>, %arg9: memref<1xf32, #tpu.memory_space<smem>>) attributes {dimension_semantics = [#tpu.dimension_semantics<arbitrary>], iteration_bounds = array<i64: 32>, scalar_prefetch = 0 : i64, scratch_operands = 1 : i64, tpu.core_type = #tpu.core_type<tc>, window_params = [{transform_indices = @transform_0, window_bounds = array<i64: 1, 21, 8732>}, {pipeline_mode = #tpu.pipeline_mode<synchronous>, transform_indices = @transform_1, window_bounds = array<i64: 32, 8732>}, {transform_indices = @transform_2, window_bounds = array<i64: 1, 4, 8732>}, {transform_indices = @transform_3, window_bounds = array<i64: 1, 4, 8732>}, {pipeline_mode = #tpu.pipeline_mode<synchronous>, transform_indices = @transform_4, window_bounds = array<i64: 32, 8960>}, {pipeline_mode = #tpu.pipeline_mode<synchronous>, transform_indices = @transform_5, window_bounds = array<i64: 32, 8960>}, {pipeline_mode = #tpu.pipeline_mode<synchronous>, transform_indices = @transform_6, window_bounds = array<i64: 1, 1>}, {pipeline_mode = #tpu.pipeline_mode<synchronous>, transform_indices = @transform_7, window_bounds = array<i64: 32, 1>}]} {
    %get3A = arith.constant 0 : index
    %get3A_0 = arith.constant 0 : index
    %get3A_1 = arith.constant 0 : index
    %get3A_2 = vector.load %arg1[%get3A, %get3A_0, %get3A_1] : memref<1x21x8732xbf16, #tpu.memory_space<vmem>>, vector<1x21x8732xbf16>
    %get3A_3 = vector.shape_cast %get3A_2 : vector<1x21x8732xbf16> to vector<21x8732xbf16>
    %convert_element_type3A = arith.extf %get3A_3 : vector<21x8732xbf16> to vector<21x8732xf32>
    %get3A_4 = arith.index_cast %arg0 : i32 to index
    %get3A_5 = arith.constant 0 : index
    %get3A_6 = vector.load %arg2[%get3A_4, %get3A_5] : memref<32x8732xi32, #tpu.memory_space<vmem>>, vector<1x8732xi32>
    %gt3A = arith.constant 0 : i32
    %gt3A_7 = vector.broadcast %gt3A : i32 to vector<1x8732xi32>
    %gt3A_8 = arith.cmpi sgt, %get3A_6, %gt3A_7 : vector<1x8732xi32>
    %convert_element_type3A_9 = arith.extui %gt3A_8 : vector<1x8732xi1> to vector<1x8732xi32>
    %convert_element_type3A_10 = arith.sitofp %convert_element_type3A_9 : vector<1x8732xi32> to vector<1x8732xf32>
    %exp3A = math.exp %convert_element_type3A : vector<21x8732xf32>
    %broadcast_in_dim3A = arith.constant 1.000000e+00 : f32
    %broadcast_in_dim3A_11 = vector.broadcast %broadcast_in_dim3A : f32 to vector<1x21xf32>
    %dot_general3A = arith.constant dense<0.000000e+00> : vector<1x8732xf32>
    %dot_general3A_12 = tpu.matmul %broadcast_in_dim3A_11, %exp3A, %dot_general3A {dimension_numbers = #tpu.dot_dimension_numbers<[1], [0], [0], [1], [0, 0, 1, 1], [], []>, transpose_lhs_hint = false} : vector<1x21xf32>, vector<21x8732xf32>, vector<1x8732xf32> -> vector<1x8732xf32>
    %log3A = math.log %dot_general3A_12 : vector<1x8732xf32>
    %iota3A = tpu.iota {dimensions = array<i32: 0>} : vector<21x8732xi32>
    %eq3A = vector.broadcast %get3A_6 : vector<1x8732xi32> to vector<21x8732xi32>
    %eq3A_13 = arith.cmpi eq, %iota3A, %eq3A : vector<21x8732xi32>
    %convert_element_type3A_14 = arith.extui %eq3A_13 : vector<21x8732xi1> to vector<21x8732xi32>
    %convert_element_type3A_15 = arith.sitofp %convert_element_type3A_14 : vector<21x8732xi32> to vector<21x8732xf32>
    %mul3A = arith.mulf %convert_element_type3A, %convert_element_type3A_15 : vector<21x8732xf32>
    %dot_general3A_16 = arith.constant dense<0.000000e+00> : vector<1x8732xf32>
    %dot_general3A_17 = tpu.matmul %broadcast_in_dim3A_11, %mul3A, %dot_general3A_16 {dimension_numbers = #tpu.dot_dimension_numbers<[1], [0], [0], [1], [0, 0, 1, 1], [], []>, transpose_lhs_hint = false} : vector<1x21xf32>, vector<21x8732xf32>, vector<1x8732xf32> -> vector<1x8732xf32>
    %sub3A = arith.subf %log3A, %dot_general3A_17 : vector<1x8732xf32>
    %jit3A = arith.constant 0.000000e+00 : f32
    %broadcast_in_dim3A_18 = vector.broadcast %jit3A : f32 to vector<1x8732xf32>
    %select_n3A = arith.select %gt3A_8, %broadcast_in_dim3A_18, %sub3A : vector<1x8732xi1>, vector<1x8732xf32>
    %max3A = arith.constant 0.000000e+00 : f32
    %max3A_19 = vector.broadcast %max3A : f32 to vector<1x8732xf32>
    %max3A_20 = arith.maximumf %select_n3A, %max3A_19 : vector<1x8732xf32>
    %swap3A = arith.index_cast %arg0 : i32 to index
    %swap3A_21 = arith.constant 0 : index
    %swap3A_22 = vector.load %arg5[%swap3A, %swap3A_21] : memref<32x8960xf32, #tpu.memory_space<vmem>>, vector<1x8732xf32>
    tpu.vector_store %arg5[%swap3A, %swap3A_21], %max3A_20 {strides = array<i32>} : memref<32x8960xf32, #tpu.memory_space<vmem>>, vector<1x8732xf32>,
    %broadcast_in_dim3A_23 = arith.constant 0.000000e+00 : f32
    %broadcast_in_dim3A_24 = vector.broadcast %broadcast_in_dim3A_23 : f32 to vector<1x228xf32>
    %swap3A_25 = arith.index_cast %arg0 : i32 to index
    %swap3A_26 = arith.constant 8732 : index
    %swap3A_27 = vector.load %arg5[%swap3A_25, %swap3A_26] : memref<32x8960xf32, #tpu.memory_space<vmem>>, vector<1x228xf32>
    tpu.vector_store %arg5[%swap3A_25, %swap3A_26], %broadcast_in_dim3A_24 {strides = array<i32>} : memref<32x8960xf32, #tpu.memory_space<vmem>>, vector<1x228xf32>,
    %bitcast_convert_type3A = tpu.bitcast %max3A_20 : vector<1x8732xf32> -> vector<1x8732xi32>
    %swap3A_28 = arith.index_cast %arg0 : i32 to index
    %swap3A_29 = arith.constant 0 : index
    %swap3A_30 = vector.load %arg6[%swap3A_28, %swap3A_29] : memref<32x8960xi32, #tpu.memory_space<vmem>>, vector<1x8732xi32>
    tpu.vector_store %arg6[%swap3A_28, %swap3A_29], %bitcast_convert_type3A {strides = array<i32>} : memref<32x8960xi32, #tpu.memory_space<vmem>>, vector<1x8732xi32>,
    %broadcast_in_dim3A_31 = arith.constant 0 : i32
    %broadcast_in_dim3A_32 = vector.broadcast %broadcast_in_dim3A_31 : i32 to vector<1x228xi32>
    %swap3A_33 = arith.index_cast %arg0 : i32 to index
    %swap3A_34 = arith.constant 8732 : index
    %swap3A_35 = vector.load %arg6[%swap3A_33, %swap3A_34] : memref<32x8960xi32, #tpu.memory_space<vmem>>, vector<1x228xi32>
    tpu.vector_store %arg6[%swap3A_33, %swap3A_34], %broadcast_in_dim3A_32 {strides = array<i32>} : memref<32x8960xi32, #tpu.memory_space<vmem>>, vector<1x228xi32>,
    %convert_element_type3A_36 = arith.extui %gt3A_8 : vector<1x8732xi1> to vector<1x8732xi32>
    %reduce_sum3A = vector.shape_cast %convert_element_type3A_36 : vector<1x8732xi32> to vector<1x1x8732xi32>
    %reduce_sum3A_37 = arith.constant dense<0> : vector<1xi32>
    %reduce_sum3A_38 = vector.multi_reduction <add>, %reduce_sum3A, %reduce_sum3A_37 [1, 2] : vector<1x1x8732xi32> to vector<1xi32>
    %reduce_sum3A_39 = vector.shape_cast %reduce_sum3A_38 : vector<1xi32> to vector<1x1x1xi32>
    %reduce_sum3A_40 = vector.extract %reduce_sum3A_39[0, 0, 0] : i32 from vector<1x1x1xi32>
    %reshape3A = vector.broadcast %reduce_sum3A_40 : i32 to vector<1x1xi32>
    %swap3A_41 = arith.index_cast %arg0 : i32 to index
    %swap3A_42 = arith.constant 0 : index
    %swap3A_43 = vector.load %arg8[%swap3A_41, %swap3A_42] : memref<32x1xi32, #tpu.memory_space<vmem>>, vector<1x1xi32>
    tpu.vector_store %arg8[%swap3A_41, %swap3A_42], %reshape3A {strides = array<i32>} : memref<32x1xi32, #tpu.memory_space<vmem>>, vector<1x1xi32>,
    %mul3A_44 = arith.mulf %convert_element_type3A_10, %sub3A : vector<1x8732xf32>
    %reduce_sum3A_45 = vector.shape_cast %mul3A_44 : vector<1x8732xf32> to vector<1x1x8732xf32>
    %reduce_sum3A_46 = arith.constant dense<0.000000e+00> : vector<1xf32>
    %reduce_sum3A_47 = vector.multi_reduction <add>, %reduce_sum3A_45, %reduce_sum3A_46 [1, 2] : vector<1x1x8732xf32> to vector<1xf32>
    %reduce_sum3A_48 = vector.shape_cast %reduce_sum3A_47 : vector<1xf32> to vector<1x1x1xf32>
    %reduce_sum3A_49 = vector.extract %reduce_sum3A_48[0, 0, 0] : f32 from vector<1x1x1xf32>
    %get3A_50 = arith.constant 0 : index
    %get3A_51 = arith.constant 0 : index
    %get3A_52 = arith.constant 0 : index
    %get3A_53 = vector.load %arg3[%get3A_50, %get3A_51, %get3A_52] : memref<1x4x8732xbf16, #tpu.memory_space<vmem>>, vector<1x4x8732xbf16>
    %get3A_54 = vector.shape_cast %get3A_53 : vector<1x4x8732xbf16> to vector<4x8732xbf16>
    %convert_element_type3A_55 = arith.extf %get3A_54 : vector<4x8732xbf16> to vector<4x8732xf32>
    %get3A_56 = arith.constant 0 : index
    %get3A_57 = arith.constant 0 : index
    %get3A_58 = arith.constant 0 : index
    %get3A_59 = vector.load %arg4[%get3A_56, %get3A_57, %get3A_58] : memref<1x4x8732xbf16, #tpu.memory_space<vmem>>, vector<1x4x8732xbf16>
    %get3A_60 = vector.shape_cast %get3A_59 : vector<1x4x8732xbf16> to vector<4x8732xbf16>
    %convert_element_type3A_61 = arith.extf %get3A_60 : vector<4x8732xbf16> to vector<4x8732xf32>
    %sub3A_62 = arith.subf %convert_element_type3A_55, %convert_element_type3A_61 : vector<4x8732xf32>
    %abs3A = math.absf %sub3A_62 : vector<4x8732xf32>
    %lt3A = arith.constant 1.000000e+00 : f32
    %lt3A_63 = vector.broadcast %lt3A : f32 to vector<4x8732xf32>
    %lt3A_64 = arith.cmpf olt, %abs3A, %lt3A_63 : vector<4x8732xf32>
    %mul3A_65 = arith.constant 5.000000e-01 : f32
    %mul3A_66 = vector.broadcast %mul3A_65 : f32 to vector<4x8732xf32>
    %mul3A_67 = arith.mulf %mul3A_66, %sub3A_62 : vector<4x8732xf32>
    %mul3A_68 = arith.mulf %mul3A_67, %sub3A_62 : vector<4x8732xf32>
    %sub3A_69 = arith.constant 5.000000e-01 : f32
    %sub3A_70 = vector.broadcast %sub3A_69 : f32 to vector<4x8732xf32>
    %sub3A_71 = arith.subf %abs3A, %sub3A_70 : vector<4x8732xf32>
    %select_n3A_72 = arith.select %lt3A_64, %mul3A_68, %sub3A_71 : vector<4x8732xi1>, vector<4x8732xf32>
    %mul3A_73 = vector.broadcast %convert_element_type3A_10 : vector<1x8732xf32> to vector<4x8732xf32>
    %mul3A_74 = arith.mulf %select_n3A_72, %mul3A_73 : vector<4x8732xf32>
    %reduce_sum3A_75 = vector.shape_cast %mul3A_74 : vector<4x8732xf32> to vector<1x4x8732xf32>
    %reduce_sum3A_76 = arith.constant dense<0.000000e+00> : vector<1xf32>
    %reduce_sum3A_77 = vector.multi_reduction <add>, %reduce_sum3A_75, %reduce_sum3A_76 [1, 2] : vector<1x4x8732xf32> to vector<1xf32>
    %reduce_sum3A_78 = vector.shape_cast %reduce_sum3A_77 : vector<1xf32> to vector<1x1x1xf32>
    %reduce_sum3A_79 = vector.extract %reduce_sum3A_78[0, 0, 0] : f32 from vector<1x1x1xf32>
    %eq3A_80 = arith.constant 0 : i32
    %eq3A_81 = arith.cmpi eq, %arg0, %eq3A_80 : i32
    %convert_element_type3A_82 = arith.extui %eq3A_81 : i1 to i32
    %cond3A = arith.constant 0 : i32
    %cond3A_83 = arith.cmpi ne, %convert_element_type3A_82, %cond3A : i32
    scf.if %cond3A_83 {
      %swap3A_94 = arith.constant 0.000000e+00 : f32
      %swap3A_95 = arith.constant 0 : index
      %swap3A_96 = memref.load %arg9[%swap3A_95] : memref<1xf32, #tpu.memory_space<smem>>
      memref.store %swap3A_94, %arg9[%swap3A_95] : memref<1xf32, #tpu.memory_space<smem>>
    } else {
    }
    %get3A_84 = arith.constant 0 : index
    %get3A_85 = memref.load %arg9[%get3A_84] : memref<1xf32, #tpu.memory_space<smem>>
    %add3A = arith.addf %reduce_sum3A_49, %reduce_sum3A_79 : f32
    %add3A_86 = arith.addf %get3A_85, %add3A : f32
    %swap3A_87 = arith.constant 0 : index
    %swap3A_88 = memref.load %arg9[%swap3A_87] : memref<1xf32, #tpu.memory_space<smem>>
    memref.store %add3A_86, %arg9[%swap3A_87] : memref<1xf32, #tpu.memory_space<smem>>
    %eq3A_89 = arith.constant 31 : i32
    %eq3A_90 = arith.cmpi eq, %arg0, %eq3A_89 : i32
    %convert_element_type3A_91 = arith.extui %eq3A_90 : i1 to i32
    %cond3A_92 = arith.constant 0 : i32
    %cond3A_93 = arith.cmpi ne, %convert_element_type3A_91, %cond3A_92 : i32
    scf.if %cond3A_93 {
      %get3A_94 = arith.constant 0 : index
      %get3A_95 = memref.load %arg9[%get3A_94] : memref<1xf32, #tpu.memory_space<smem>>
      %reshape3A_96 = vector.broadcast %get3A_95 : f32 to vector<1x1xf32>
      %swap3A_97 = arith.constant 0 : index
      %swap3A_98 = arith.constant 0 : index
      %swap3A_99 = vector.load %arg7[%swap3A_97, %swap3A_98] : memref<1x1xf32, #tpu.memory_space<vmem>>, vector<1x1xf32>
      tpu.vector_store %arg7[%swap3A_97, %swap3A_98], %reshape3A_96 {strides = array<i32>} : memref<1x1xf32, #tpu.memory_space<vmem>>, vector<1x1xf32>,
    } else {
    }
    return
  }
  func.func @transform_0(%arg0: i32) -> (i32, i32, i32) {
    %c0_i32 = arith.constant 0 : i32
    %c0_i32_0 = arith.constant 0 : i32
    %c0_i32_1 = arith.constant 0 : i32
    return %arg0, %c0_i32, %c0_i32_0 : i32, i32, i32
  }
  func.func @transform_1(%arg0: i32) -> (i32, i32) {
    %c0_i32 = arith.constant 0 : i32
    %c0_i32_0 = arith.constant 0 : i32
    %c0_i32_1 = arith.constant 0 : i32
    return %c0_i32, %c0_i32_0 : i32, i32
  }
  func.func @transform_2(%arg0: i32) -> (i32, i32, i32) {
    %c0_i32 = arith.constant 0 : i32
    %c0_i32_0 = arith.constant 0 : i32
    %c0_i32_1 = arith.constant 0 : i32
    return %arg0, %c0_i32, %c0_i32_0 : i32, i32, i32
  }
  func.func @transform_3(%arg0: i32) -> (i32, i32, i32) {
    %c0_i32 = arith.constant 0 : i32
    %c0_i32_0 = arith.constant 0 : i32
    %c0_i32_1 = arith.constant 0 : i32
    return %arg0, %c0_i32, %c0_i32_0 : i32, i32, i32
  }
  func.func @transform_4(%arg0: i32) -> (i32, i32) {
    %c0_i32 = arith.constant 0 : i32
    %c0_i32_0 = arith.constant 0 : i32
    %c0_i32_1 = arith.constant 0 : i32
    return %c0_i32, %c0_i32_0 : i32, i32
  }
  func.func @transform_5(%arg0: i32) -> (i32, i32) {
    %c0_i32 = arith.constant 0 : i32
    %c0_i32_0 = arith.constant 0 : i32
    %c0_i32_1 = arith.constant 0 : i32
    return %c0_i32, %c0_i32_0 : i32, i32
  }
  func.func @transform_6(%arg0: i32) -> (i32, i32) {
    %c0_i32 = arith.constant 0 : i32
    %c0_i32_0 = arith.constant 0 : i32
    %c0_i32_1 = arith.constant 0 : i32
    return %c0_i32, %c0_i32_0 : i32, i32
  }
  func.func @transform_7(%arg0: i32) -> (i32, i32) {
    %c0_i32 = arith.constant 0 : i32
    %c0_i32_0 = arith.constant 0 : i32
    %c0_i32_1 = arith.constant 0 : i32
    return %c0_i32, %c0_i32_0 : i32, i32
  }
}

</mosaic_0001>

<sc_bundles>
// kernel: kernel.4.cloned.1.call-start
scs
__scs_entry_jumppad:
0x0: {  	(pc) =	sbr.rel $0x88, $3  }
0x1: {  	(tag) =	ssettag $0x0;
	lr =	simm.s32 $0x1  }
0x2: {  	[smem:$0x3F9D] =	sst lr;
	_ =	strace $0xD0000000  }
0x3: {  	_ = 	snop  }
0x4: {  	_ = 	snop  }
0x5: {  	_ = 	snop  }
0x6: {  	_ = 	snop  }
0x7: {  	_ = 	snop  }
__scs_overlays_trampoline_lowered:
0x8: {  	[smem:$0x3FAC] =	sst s0  }
0x9: {  	[smem:$0x3FAD] =	sst s1  }
0xa: {  	[smem:$0x3FAE] =	sst s2  }
0xb: {  	[smem:$0x3FAF] =	sst s3  }
0xc: {  	[smem:$0x3FB0] =	sst s4  }
0xd: {  	[smem:$0x3FB1] =	sst s5  }
0xe: {  	[smem:$0x3FB2] =	sst s6  }
0xf: {  	[smem:$0x3FB3] =	sst s7  }
0x10: {  	[smem:$0x3FB4] =	sst s8  }
0x11: {  	[smem:$0x3FB5] =	sst s9;
	s0 =	simm.s32 @!p0 $0x0  }
0x12: {  	s1 =	sld [smem:$0x3F9B];
	s0 =	simm.s32 @p0 $0x1  }
0x13: {  	[smem:$0x3FB6] =	sst s0;
	s0 =	simm.s32 @!p1 $0x0  }
0x14: {  	s2 =	sld [smem:$0x3F9A];
	s0 =	simm.s32 @p1 $0x1  }
0x15: {  	[smem:$0x3FB7] =	sst s0;
	s0 =	simm.s32 @!p2 $0x0  }
0x16: {  	s3 =	sld [smem:$0x3FDB];
	s0 =	simm.s32 @p2 $0x1  }
0x17: {  	s4 =	simm.s32 $0x1BF5;
	[smem:$0x3FB9] =	sst s0  }
0x18: {  	s0 =	sld [smem:$0x3F9C];
	_ =	swait.ge [sflag:s4], $0x0  }
0x19: {  	s7 =	sld [smem:$0x3F9D]  }
0x1a: {  	s8 =	sadd.s32 $0xFFFFE003, lr  }
0x1b: {  	s9 =	sadd.s32 $0xFFFFFEF7, lr;
	s5 =	simm.s32 $0xFFFFFFFF;
	p2 =	slt.u32 s8, $0xFFFFF086  }
0x1c: {  	p1 =	slt.u32 s9, $0xF7A;
	s5 =	simm.s32 @!p2 $0x0  }
0x1d: {  	s5 =	simm.s32 @p1 $0x1;
	p0 =	seq.s32 s7, s2  }
0x1e: {  	s7 =	smul.u32 @!p0 $0xF7A, s2;
	p2 =	seq.s32 @!p0 s5, $0x0  }
0x1f: {  	s9 =	smul.u32 $0xF7A, s1;
	s8 =	simm.s32 @!p0 $0x1BF5;
	p2 =	por !p2, p0  }
0x20: {  	[sflag:s8] =	ssyncset.s32 @!p0 $0xFFFFF086;
	s6 =	sadd.s32 @!p0 s3, s7;
	s7 =	simm.s32 @!p0 $0x108  }
0x21: {  	s3 =	sadd.s32 s3, s9;
	s6 =	sadd.s32 @!p0 $0x88, s6;
	s7 =	simm.s32 @p2 $0x1082  }
0x22: {  	[simem:s7], [sflag:s8] =	dma.local @!p0 [hbm:s6], $0xF7A  }
0x23: {  	s9 =	sor.u32 $0xD0000000, s2;
	s6 =	simm.s32 $0x108;
	_ =	swait.ge @!p0 [sflag:s8], $0x0  }
0x24: {  	s3 =	sadd.s32 $0x88, s3;
	s6 =	simm.s32 @!p1 $0x1082;
	[sflag:s4] =	ssyncset.s32 $0xFFFFF086  }
0x25: {  	[simem:s6], [sflag:s4] =	dma.local [hbm:s3], $0xF7A  }
0x26: {  	[smem:$0x3F9D] =	sst s1;
	(tag) =	ssettag s2;
	_ =	strace s9  }
0x27: {  	s1 =	sld [smem:$0x3FAD]  }
0x28: {  	s2 =	sld [smem:$0x3FAE]  }
0x29: {  	s4 =	sld [smem:$0x3FB0]  }
0x2a: {  	p0 =	seq.s32 s5, $0x0;
	s5 =	sld [smem:$0x3FB1]  }
0x2b: {  	s6 =	sld [smem:$0x3FB2]  }
0x2c: {  	s7 =	sld [smem:$0x3FB3]  }
0x2d: {  	s3 =	simm.s32 $0x108;
	s8 =	sld [smem:$0x3FB4]  }
0x2e: {  	s3 =	simm.s32 @!p0 $0x1082;
	s9 =	sld [smem:$0x3FB5]  }
0x2f: {  	lr =	sadd.s32 s0, s3;
	s0 =	sld [smem:$0x3FAC]  }
0x30: {  	s3 =	sld [smem:$0x3FAF]  }
0x31: {  	[smem:$0x3FB8] =	sst s10  }
0x32: {  	s10 =	sld [smem:$0x3FB6];
	_ =	sdelay $0x3  }
0x33: {  	p0 =	seq.s32 s10, $0x1;
	s10 =	sld [smem:$0x3FB8];
	_ =	sdelay $0x3  }
0x34: {  	[smem:$0x3FB8] =	sst s10  }
0x35: {  	s10 =	sld [smem:$0x3FB7];
	_ =	sdelay $0x3  }
0x36: {  	p1 =	seq.s32 s10, $0x1;
	s10 =	sld [smem:$0x3FB8];
	_ =	sdelay $0x3  }
0x37: {  	[smem:$0x3FB8] =	sst s10  }
0x38: {  	s10 =	sld [smem:$0x3FB9]  }
0x39: {  	_ = 	snop;
	(pc) =	sbr.ind lr, $3  }
0x3a: {  	_ = 	snop  }
0x3b: {  	_ = 	snop  }
0x3c: {  	p2 =	seq.s32 s10, $0x1;
	s10 =	sld [smem:$0x3FB8]  }
0x3d: {  	_ =	shalt  }
0x3e: {  	_ =	shalt  }
0x3f: {  	_ =	shalt  }
0x40: {  	_ =	shalt  }
0x41: {  	_ =	shalt  }
0x42: {  	_ =	shalt  }
0x43: {  	_ =	shalt  }
0x44: {  	_ =	shalt  }
0x45: {  	_ =	shalt  }
0x46: {  	_ =	shalt  }
0x47: {  	_ =	shalt  }
0x48: {  	_ =	shalt  }
0x49: {  	_ =	shalt  }
0x4a: {  	_ =	shalt  }
0x4b: {  	_ =	shalt  }
0x4c: {  	_ =	shalt  }
0x4d: {  	_ =	shalt  }
0x4e: {  	_ =	shalt  }
0x4f: {  	_ =	shalt  }
0x50: {  	_ =	shalt  }
0x51: {  	_ =	shalt  }
0x52: {  	_ =	shalt  }
0x53: {  	_ =	shalt  }
0x54: {  	_ =	shalt  }
0x55: {  	_ =	shalt  }
0x56: {  	_ =	shalt  }
0x57: {  	_ =	shalt  }
0x58: {  	_ =	shalt  }
0x59: {  	_ =	shalt  }
0x5a: {  	_ =	shalt  }
0x5b: {  	_ =	shalt  }
0x5c: {  	_ =	shalt  }
0x5d: {  	_ =	shalt  }
0x5e: {  	_ =	shalt  }
0x5f: {  	_ =	shalt  }
0x60: {  	_ =	shalt  }
0x61: {  	_ =	shalt  }
0x62: {  	_ =	shalt  }
0x63: {  	_ =	shalt  }
0x64: {  	_ =	shalt  }
0x65: {  	_ =	shalt  }
0x66: {  	_ =	shalt  }
0x67: {  	_ =	shalt  }
0x68: {  	_ =	shalt  }
0x69: {  	_ =	shalt  }
0x6a: {  	_ =	shalt  }
0x6b: {  	_ =	shalt  }
0x6c: {  	_ =	shalt  }
0x6d: {  	_ =	shalt  }
0x6e: {  	_ =	shalt  }
0x6f: {  	_ =	shalt  }
0x70: {  	_ =	shalt  }
0x71: {  	_ =	shalt  }
0x72: {  	_ =	shalt  }
0x73: {  	_ =	shalt  }
0x74: {  	_ =	shalt  }
0x75: {  	_ =	shalt  }
0x76: {  	_ =	shalt  }
0x77: {  	_ =	shalt  }
0x78: {  	_ =	shalt  }
0x79: {  	_ =	shalt  }
0x7a: {  	_ =	shalt  }
0x7b: {  	_ =	shalt  }
0x7c: {  	_ =	shalt  }
0x7d: {  	_ =	shalt  }
0x7e: {  	_ =	shalt  }
0x7f: {  	_ =	shalt  }
0x80: {  	_ =	shalt  }
0x81: {  	_ =	shalt  }
0x82: {  	_ =	shalt  }
0x83: {  	_ =	shalt  }
0x84: {  	_ =	shalt  }
0x85: {  	_ =	shalt  }
0x86: {  	_ =	shalt  }
0x87: {  	_ =	shalt  }
.Lfunc_end0:
.L_simem_size_0:
called_computation_lowered:
.L_overlay_start_0:
0x88: {  	s2 =	sld [smem:$0x3FD9]  }
0x89: {  	s3 =	sld [smem:$0x3FFE];
	_ =	sdelay $0x1  }
0x8a: {  	s1 =	srdreg.scid  }
0x8b: {  	s0 =	sand.u32 $0x1, s1  }
0x8c: {  	s16 =	sshll.u32 s0, $0xA;
	s2 =	sadd.s32 s3, s2  }
0x8d: {  	s2 =	sadd.s32 s2, s16  }
0x8e: {  	[smem:$0x3FC4] =	sst s2  }
0x8f: {  	_ = 	snop  }
0x90: {  	(tm) =	ssettm $0x1  }
0x91: {  	s17 =	sld [smem:$0x3FFB];
	_ =	sdelay $0x3  }
0x92: {  	_ =	strace s17  }
0x93: {  	s2 =	sld [smem:$0x3FFC];
	_ =	sdelay $0x3  }
0x94: {  	_ =	strace s2  }
0x95: {  	s2 =	sld [smem:$0x3FFD];
	_ =	sdelay $0x3  }
0x96: {  	_ =	strace s2  }
0x97: {  	_ =	strace $0x8FFFFFFF  }
0x98: {  	s18 =	sld [smem:$0x3FDB];
	_ =	sdelay $0x1  }
0x99: {  	s19 =	simm.s32 $_scs_section_size  }
0x9a: {  	s4 =	simm.s32 $_size__tile_overlayer_lowered;
	s5 =	simm.s32 $_tile_overlayer_lowered  }
0x9b: {  	s22 =	simm.s32 $0x1BFF;
	s21 =	sshll.u32 s5, $0x1;
	s2 =	sadd.s32 s19, s18  }
0x9c: {  	s6 =	simm.s32 $0x0;
	s20 =	sshll.u32 s4, $0x1;
	s4 =	sadd.s32 s21, s2  }
0x9d: {  	[timem:s6], [sflag:s22] =	dma.local [hbm:s4], s20  }
0x9e: {  	_ =	swait.ge [sflag:s22], s20  }
0x9f: {  	s3 =	ssub.s32 $0x0, s20;
	[sflag:s22] =	ssyncset.done $0x0  }
0xa0: {  	[sflag:s22] =	ssyncadd.s32 s3;
	_ =	sdelay $0x1  }
0xa1: {  	s23 =	simm.s32 $0x1B8B  }
0xa2: {  	_ =	swait.ge [sflag:s23], $0x1  }
0xa3: {  	[sflag:s23] =	ssyncset.done $0x0  }
0xa4: {  	s25 =	simm.s32 $0x1B8E;
	s24 =	sld [smem:$0x3FFE];
	[sflag:s23] =	ssyncadd.s32 $0xFFFFFFFF  }
0xa5: {  	s26 =	simm.s32 $execute0_lowered;
	[smem:$0x3FD2] =	sst s25  }
0xa6: {  	s4 =	sshll.u32 s26, $0x1;
	_ =	strace $0x80000046;
	[dreg:$0x1] =	wrdreg $0xFFFFFFFF  }
0xa7: {  	s28 =	simm.s32 $_size_execute0_lowered;
	s2 =	sadd.s32 s2, s4;
	[dreg:$0x0] =	wrdreg $0x0  }
0xa8: {  	s4 =	sshll.u32 s28, $0x1;
	[dreg:$0x2] =	wrdreg s2  }
0xa9: {  	[dreg:$0x3] =	wrdreg s4  }
0xaa: {  	[dreg:$0x4] =	wrdreg $0xC0  }
0xab: {  	_ =	task [dreg:s6], $0x5FFFF  }
0xac: {  	[dreg:$0x1] =	wrdreg $0xFFFFFFFF  }
0xad: {  	[dreg:$0x0] =	wrdreg $0x60  }
0xae: {  	[dreg:$0x2] =	wrdreg s24  }
0xaf: {  	[dreg:$0x3] =	wrdreg $0x9  }
0xb0: {  	_ =	task.clear_ibuf [dreg:s6], $0x4FFFF;
	_ =	strace $0x90000046  }
0xb1: {  	s29 =	simm.s32 $0x9;
	_ =	strace $0x80000048  }
0xb2: {  	_ =	swait.ge [sflag:s29], $0x1  }
0xb3: {  	[sflag:s29] =	ssyncadd.s32 $0xFFFFFFFF  }
0xb4: {  	_ =	strace $0x90000048  }
0xb5: {  	_ =	sfence  }
0xb6: {  	s30 =	sld [smem:$0x0];
	_ =	sdelay $0x2  }
0xb7: {  	s31 =	sshll.u32 s1, $0xD;
	s1 =	sshrl.u32 s1, $0x2  }
0xb8: {  	s3 =	sand.u32 $0x4000, s31;
	s1 =	sadd.s32 s1, s30  }
0xb9: {  	s0 =	sor.u32 s3, s0;
	s1 =	sshll.u32 s1, $0x11  }
0xba: {  	s0 =	sor.u32 s1, s0  }
0xbb: {  	s0 =	sadd.s32 $0x8F2B, s0  }
0xbc: {  	[sflag:s0] =	ssyncadd.remote.s32 $0x1  }
0xbd: {  	_ =	sfence.sel $0xFFFF  }
0xbe: {  	[dreg:$0x0] =	wrdreg $0xFFFFFFFF;
	(pc) =	sbr.abs _section_cstart, $3  }
0xbf: {  	[dreg:$0x1] =	wrdreg $0xFFFFFFFF  }
0xc0: {  	_ =	task.clear_ibuf [dreg:s6], $0x2FFFF;
	_ =	strace $0x9FFFFFFF  }
0xc1: {  	(tm) =	ssettm $0x7FFFFFFF  }
tec
execute0_lowered:
.L_overlay_start_1:
0x0: {  	(tag) =	ssettag $0x1  }
0x1: {  	v0 =	vimm.s32 $0xFEDCBA98;
	v1 =	vimm.s32 $0x76543210  }
0x2: {  	v3 =	vimm.s32 $0x32107654;
	v4 =	vimm.s32 $0xDCFE98BA;
	v5 =	vimm.s32 $0x54761032  }
0x3: {  	s5 =	rddreg [dreg:$0x0];
	v6 =	vimm.s32 $0xEFCDAB89;
	v7 =	vimm.s32 $0x67452301;
	v0 =	vunpack.c.l.s4.s8 v0  }
0x4: {  	s0 =	rddreg [dreg:$0x1];
	s3 =	srdreg.scid;
	v1 =	vunpack.c.l.s4.s8 v1;
	v3 =	vunpack.c.l.s4.s8 v3;
	v4 =	vunpack.c.l.s4.s8 v4  }
0x5: {  	s1 =	stileid.u32;
	s2 =	simm.s32 $0x0;
	s10 =	simm.s32 $0x2300;
	v5 =	vunpack.c.l.s4.s8 v5;
	v2 =	vunpack.c.0.s8.s32 v0;
	v0 =	vimm.s32 $0xBA98FEDC  }
0x6: {  	s11 =	simm.s32 $0x4600;
	s12 =	simm.s32 $0x4680;
	s13 =	simm.s32 $0x0;
	v6 =	vunpack.c.l.s4.s8 v6;
	v7 =	vunpack.c.l.s4.s8 v7;
	v0 =	vunpack.c.l.s4.s8 v0  }
0x7: {  	s17 =	simm.s32 $0x0;
	s6 =	sand.u32 $0x1, s3;
	s31 =	sshll.u32 s1, $0x1;
	v3 =	vunpack.c.0.s8.s32 v3;
	v4 =	vunpack.c.0.s8.s32 v4;
	v5 =	vunpack.c.0.s8.s32 v5  }
0x8: {  	[smem:$0x7FF] =	sst s2;
	s4 =	sadd.s32 $0x11A00, s5;
	s3 =	sor.u32 s6, s31;
	v6 =	vunpack.c.0.s8.s32 v6;
	v7 =	vunpack.c.0.s8.s32 v7;
	v0 =	vunpack.c.0.s8.s32 v0  }
0x9: {  	s6 =	ssub.s32 $0x2, s6;
	s7 =	smul.u32 $0x460, s3;
	s8 =	sshll.u32 s3, $0x1;
	v8 =	vunpack.c.0.s8.s32 v1;
	v1 =	vcombine.low v5, v4  }
0xa: {  	_ =	strace $0x80000047;
	s9 =	sshrl.u32 s6, $0x1;
	s8 =	sadd.s32 s8, s5;
	v9 =	vand.u32 $0xF, v2;
	v2 =	vcombine.low v7, v6;
	v0 =	vcombine.low v3, v0  }
0xb: {  	s9 =	ssub.s32 s6, s9;
	s5 =	sadd.s32 s5, s7;
	s7 =	sadd.s32 $0x11C00, s8;
	v4 =	vcombine.low v9, v8;
	v6 =	vand.u32 $0xF, v1  }
0xc: {  	s8 =	smax.u32 s9, $0x1;
	s9 =	simm.s32 $0x1;
	s6 =	sadd.s32 $0x8C00, s5;
	v7 =	vand.u32 $0xF, v2;
	v3 =	vimm.s32 $0x0;
	v5 =	vand.u32 $0xF, v0  }
.LBB2_1:
0xd: {  	[tilespmem:s2], [sflag:$0x1] =	stream.linear.gather [hbm4b:s5+s2], $0x2300, $0x38;
	[tilespmem:$0x4700] =	vst v63  }
0xe: {  	_ =	swait.ge [sflag:s9], $0x2300  }
0xf: {  	[sflag:s9] =	ssyncset.done $0x0  }
0x10: {  	[sflag:s9] =	ssyncadd.s32 $0xFFFFDD00  }
0x11: {  	[tilespmem:s10], [sflag:$0x1] =	stream.linear.gather [hbm4b:s6+s2], $0x2300, $0x38;
	[tilespmem:$0x4700] =	vst v63  }
0x12: {  	_ =	swait.ge [sflag:s9], $0x2300  }
0x13: {  	[sflag:s9] =	ssyncset.done $0x0  }
0x14: {  	[sflag:s9] =	ssyncadd.s32 $0xFFFFDD00  }
0x15: {  	[tilespmem:s11], [sflag:$0x1] =	stream.linear.gather [hbm4b:s4+s2], $0x20, $0x38;
	[tilespmem:$0x4700] =	vst v63  }
0x16: {  	_ =	swait.ge [sflag:s9], $0x20  }
0x17: {  	[sflag:s9] =	ssyncset.done $0x0  }
0x18: {  	[sflag:s9] =	ssyncadd.s32 $0xFFFFFFE0  }
0x19: {  	v8 =	vld [tilespmem:s3+$0x4600];
	_ =	sdelay $0x4  }
0x1a: {  	(v2sf) =	vpush v8, $0x0;
	_ =	sdelay $0xe  }
0x1b: {  	s14 =	spop (v2sf)  }
0x1c: {  	s15 =	smul.u32 $0x3, s14  }
0x1d: {  	s14 =	ssub.s32 $0x221C, s14  }
0x1e: {  	p0 =	slt.s32 s15, s14  }
0x1f: {  	s14 =	smov.u32 @p0 s15  }
0x20: {  	v10 =	vimm.s32 $0x7F800000;
	v9 =	vimm.s32 $0x0;
	v8 =	vmov s14;
	s14 =	simm.s32 $0x0  }
.LBB2_2:
0x21: {  	v12 =	vld [tilespmem:s17+$0x2300]  }
0x22: {  	v14 =	vld [tilespmem:s17+$0x2310]  }
0x23: {  	v11 =	vsub.s32 v10, v9;
	v16 =	vld [tilespmem:s17+$0x2320]  }
0x24: {  	v15 =	vld [tilespmem:s17+$0x2330];
	v11 =	vshrl.u32 v11, $0x1  }
0x25: {  	v13 =	vld [tilespmem:s17+$0x2340];
	v11 =	vadd.s32 v9, v11  }
0x26: {  	vm0 =	vgt.s32 v12, v11;
	v12 =	vld [tilespmem:s17+$0x2350]  }
0x27: {  	v17 =	vimm.s32 $0x0;
	v18 =	vsel vm0, $0x1, v3;
	vm0 =	vgt.s32 v14, v11;
	v14 =	vld [tilespmem:s17+$0x2360]  }
0x28: {  	s15 =	simm.s32 $0x80;
	s16 =	simm.s32 $0x400;
	v17 =	vadd.s32 v18, v17;
	v18 =	vsel vm0, $0x1, v3;
	vm0 =	vgt.s32 v16, v11;
	v16 =	vld [tilespmem:s17+$0x2370]  }
.LBB2_3:
0x29: {  	p0 =	sne.s32 s16, $0x8A00;
	v19 =	vld [tilespmem:s15+$0x2300];
	v17 =	vadd.s32 v18, v17;
	v18 =	vsel vm0, $0x1, v3;
	vm0 =	vgt.s32 v15, v11  }
0x2a: {  	v20 =	vld [tilespmem:s15+$0x2310];
	v15 =	vadd.s32 v18, v17;
	v17 =	vsel vm0, $0x1, v3;
	vm0 =	vgt.s32 v13, v11  }
0x2b: {  	v21 =	vld [tilespmem:s15+$0x2320];
	v13 =	vadd.s32 v17, v15;
	v17 =	vsel vm0, $0x1, v3;
	vm0 =	vgt.s32 v12, v11  }
.Ltmp0:
0x2c: {  	v15 =	vld [tilespmem:s15+$0x2330];
	v12 =	vadd.s32 v17, v13;
	v17 =	vsel vm0, $0x1, v3;
	vm0 =	vgt.s32 v14, v11;
	(pc) =	sbr.rel @p0 .LBB2_3-.Ltmp0, $4  }
0x2d: {  	v13 =	vld [tilespmem:s15+$0x2340];
	v14 =	vadd.s32 v17, v12;
	v17 =	vsel vm0, $0x1, v3;
	vm0 =	vgt.s32 v16, v11  }
0x2e: {  	vm1 =	vgt.s32 v19, v11;
	v12 =	vld [tilespmem:s15+$0x2350];
	v16 =	vadd.s32 v17, v14;
	v17 =	vsel vm0, $0x1, v3  }
0x2f: {  	v18 =	vsel vm1, $0x1, v3;
	vm0 =	vgt.s32 v20, v11;
	v14 =	vld [tilespmem:s15+$0x2360];
	v16 =	vadd.s32 v17, v16  }
0x30: {  	v17 =	vadd.s32 v18, v16;
	v18 =	vsel vm0, $0x1, v3;
	vm0 =	vgt.s32 v21, v11;
	v16 =	vld [tilespmem:s15+$0x2370];
	s15 =	sshra.s32 s16, $0x2;
	s16 =	sadd.s32 $0x200, s16  }
0x31: {  	v19 =	vld [tilespmem:s15+$0x2300];
	v17 =	vadd.s32 v18, v17;
	v44 =	vsel vm0, $0x1, v3;
	vm15 =	vgt.s32 v15, v11  }
0x32: {  	v45 =	vld [tilespmem:s15+$0x2310];
	v17 =	vadd.s32 v44, v17;
	v46 =	vsel vm15, $0x1, v3;
	vm4 =	vgt.s32 v13, v11  }
0x33: {  	v47 =	vld [tilespmem:s15+$0x2320];
	v17 =	vadd.s32 v46, v17;
	v48 =	vsel vm4, $0x1, v3;
	vm5 =	vgt.s32 v12, v11  }
0x34: {  	v49 =	vld [tilespmem:s15+$0x2330];
	v17 =	vadd.s32 v48, v17;
	v50 =	vsel vm5, $0x1, v3;
	vm6 =	vgt.s32 v14, v11  }
0x35: {  	v51 =	vld [tilespmem:s15+$0x2340];
	v17 =	vadd.s32 v50, v17;
	v52 =	vsel vm6, $0x1, v3;
	vm7 =	vgt.s32 v16, v11  }
0x36: {  	v53 =	vld [tilespmem:s15+$0x2350];
	vm1 =	vgt.s32 v19, v11;
	v17 =	vadd.s32 v52, v17;
	v54 =	vsel vm7, $0x1, v3  }
0x37: {  	v55 =	vld [tilespmem:s15+$0x2360];
	vm8 =	vgt.s32 v45, v11;
	v19 =	vsel vm1, $0x1, v3;
	v17 =	vadd.s32 v54, v17  }
0x38: {  	v57 =	vld [tilespmem:s15+$0x2370];
	vm9 =	vgt.s32 v47, v11;
	v56 =	vsel vm8, $0x1, v3;
	v17 =	vadd.s32 v19, v17  }
0x39: {  	vm10 =	vgt.s32 v49, v11;
	v58 =	vsel vm9, $0x1, v3;
	v17 =	vadd.s32 v56, v17  }
0x3a: {  	vm11 =	vgt.s32 v51, v11;
	v60 =	vsel vm10, $0x1, v3;
	v59 =	vadd.s32 v58, v17  }
0x3b: {  	vm12 =	vgt.s32 v53, v11;
	v14 =	vsel vm11, $0x1, v3;
	v12 =	vadd.s32 v60, v59  }
0x3c: {  	vm13 =	vgt.s32 v55, v11;
	v61 =	vsel vm12, $0x1, v3;
	v12 =	vadd.s32 v14, v12  }
0x3d: {  	vm14 =	vgt.s32 v57, v11;
	v62 =	vsel vm13, $0x1, v3;
	v12 =	vadd.s32 v61, v12  }
0x3e: {  	v13 =	vsel vm14, $0x1, v3;
	v12 =	vadd.s32 v62, v12  }
0x3f: {  	v12 =	vadd.s32 v13, v12  }
0x40: {  	v13 =	vperm.xlane v12, v4;
	_ =	sdelay $0x1  }
0x41: {  	v12 =	vadd.s32 v12, v13  }
0x42: {  	v13 =	vperm.xlane v12, v0;
	_ =	sdelay $0x1  }
0x43: {  	v12 =	vadd.s32 v13, v12  }
0x44: {  	v13 =	vperm.xlane v12, v1  }
0x45: {  	s14 =	sadd.s32 $0x1, s14  }
0x46: {  	p0 =	sne.s32 s14, $0x1F;
	v12 =	vadd.s32 v13, v12  }
.Ltmp1:
0x47: {  	v13 =	vperm.xlane v12, v2;
	(pc) =	sbr.rel @p0 .LBB2_2-.Ltmp1, $4  }
0x48: {  	_ = 	snop  }
0x49: {  	v12 =	vadd.s32 v13, v12  }
0x4a: {  	v63 =	vadd.s32 $0x1, v11;
	vm15 =	vlt.s32 v12, v8  }
0x4b: {  	v9 =	vsel vm15, v9, v63;
	v10 =	vsel vm15, v11, v10  }
0x4c: {  	s14 =	simm.s32 $0x0  }
0x4d: {  	v11 =	vld [tilespmem:s14+$0x70]  }
0x4e: {  	v10 =	vld [tilespmem:s14+$0x2370]  }
0x4f: {  	v30 =	vld [tilespmem:s14+$0x60]  }
0x50: {  	v12 =	vld [tilespmem:s14+$0x2360]  }
0x51: {  	v24 =	vld [tilespmem:s14+$0x50]  }
0x52: {  	v13 =	vld [tilespmem:s14+$0x2350]  }
0x53: {  	v14 =	vld [tilespmem:s14+$0x2340]  }
0x54: {  	v15 =	vld [tilespmem:s14+$0x2330]  }
0x55: {  	v16 =	vld [tilespmem:s14+$0x2320]  }
0x56: {  	v17 =	vld [tilespmem:s14+$0x2310]  }
0x57: {  	v18 =	vld [tilespmem:s14+$0x2300]  }
0x58: {  	v22 =	vld [tilespmem:s14+$0x0]  }
0x59: {  	v23 =	vimm.s32 $0x0;
	v25 =	vld [tilespmem:s14+$0x40]  }
0x5a: {  	v26 =	vimm.f32 $0.0e+00;
	v27 =	vld [tilespmem:s14+$0x10];
	vm1 =	vgt.s32 v12, v9;
	vm0 =	vgt.s32 v10, v9  }
0x5b: {  	v28 =	vld [tilespmem:s14+$0x30];
	vm4 =	vgt.s32 v15, v9;
	vm3 =	vgt.s32 v14, v9;
	vm2 =	vgt.s32 v13, v9  }
0x5c: {  	vm5 =	vgt.s32 v18, v9;
	vm6 =	vgt.s32 v17, v9;
	v13 =	vld [tilespmem:s14+$0x20];
	vm7 =	vgt.s32 v16, v9  }
0x5d: {  	v10 =	vnsel vm5, $0x0, v22;
	v14 =	vsel vm0, $0x1, v3;
	v15 =	vnsel vm0, $0x0, v11  }
0x5e: {  	v16 =	vsel vm1, $0x1, v3;
	v17 =	vsel vm1, $0x0, v30;
	v10 =	vadd.f32 v10, v26  }
0x5f: {  	s14 =	simm.s32 $0x80;
	v18 =	vnsel vm6, $0x0, v27;
	v19 =	vsel vm2, $0x1, v3;
	v20 =	vsel vm2, $0x0, v24  }
0x60: {  	v12 =	vld [tilespmem:s14+$0x70];
	v29 =	vsel vm3, $0x1, v3;
	v31 =	vsel vm3, $0x0, v25;
	v21 =	vadd.f32 v18, v10  }
0x61: {  	v34 =	vsel vm4, $0x0, v28;
	v39 =	vsel vm5, $0x0, v22;
	v22 =	vld [tilespmem:s14+$0x2350];
	v32 =	vnsel vm7, $0x0, v13  }
0x62: {  	v38 =	vsel vm5, $0x1, v3;
	v62 =	vnsel vm2, $0x0, v24;
	v24 =	vld [tilespmem:s14+$0x2320];
	v32 =	vadd.f32 v32, v21  }
0x63: {  	v35 =	vsel vm7, $0x1, v3;
	v28 =	vnsel vm4, $0x0, v28;
	v61 =	vadd.s32 v38, v23;
	v23 =	vld [tilespmem:s14+$0x2340]  }
0x64: {  	v27 =	vsel vm6, $0x0, v27;
	v26 =	vmax.f32 v26, v39;
	v18 =	vld [tilespmem:s14+$0x2370];
	v28 =	vadd.f32 v28, v32  }
0x65: {  	v37 =	vsel vm6, $0x1, v3;
	v25 =	vnsel vm3, $0x0, v25;
	v26 =	vmax.f32 v26, v27;
	v10 =	vld [tilespmem:s14+$0x60]  }
0x66: {  	v36 =	vsel vm7, $0x0, v13;
	v13 =	vld [tilespmem:s14+$0x50];
	v32 =	vadd.s32 v37, v61;
	v27 =	vadd.f32 v25, v28  }
0x67: {  	v33 =	vsel vm4, $0x1, v3;
	v21 =	vld [tilespmem:s14+$0x2360];
	v26 =	vmax.f32 v26, v36;
	v28 =	vadd.s32 v35, v32  }
0x68: {  	v63 =	vmax.f32 v26, v34;
	v26 =	vld [tilespmem:s14+$0x2310];
	v28 =	vadd.s32 v33, v28;
	v27 =	vadd.f32 v62, v27  }
0x69: {  	s15 =	simm.s32 $0x400;
	v30 =	vnsel vm1, $0x0, v30;
	v25 =	vld [tilespmem:s14+$0x2330];
	v28 =	vadd.s32 v29, v28;
	v29 =	vmax.f32 v63, v31  }
.LBB2_6:
0x6a: {  	p0 =	sne.s32 s15, $0x8A00;
	v31 =	vld [tilespmem:s14+$0x2300];
	v19 =	vadd.s32 v19, v28;
	v20 =	vmax.f32 v29, v20;
	v27 =	vadd.f32 v30, v27  }
0x6b: {  	v28 =	vld [tilespmem:s14+$0x0];
	v16 =	vadd.s32 v16, v19;
	v17 =	vmax.f32 v20, v17;
	v19 =	vsel vm0, $0x0, v11;
	v11 =	vmovc v12  }
0x6c: {  	v29 =	vld [tilespmem:s14+$0x40];
	v30 =	vadd.s32 v14, v16;
	v12 =	vadd.f32 v15, v27;
	v27 =	vmax.f32 v17, v19  }
0x6d: {  	vm1 =	vgt.s32 v21, v9;
	vm0 =	vgt.s32 v18, v9;
	v32 =	vld [tilespmem:s14+$0x10]  }
0x6e: {  	vm2 =	vgt.s32 v22, v9;
	vm3 =	vgt.s32 v23, v9;
	vm5 =	vgt.s32 v25, v9;
	v33 =	vld [tilespmem:s14+$0x30]  }
0x6f: {  	vm7 =	vgt.s32 v24, v9;
	vm6 =	vgt.s32 v26, v9;
	vm4 =	vgt.s32 v31, v9;
	v21 =	vld [tilespmem:s14+$0x20]  }
0x70: {  	v14 =	vsel vm0, $0x1, v3;
	v15 =	vnsel vm0, $0x0, v11;
	v16 =	vnsel vm4, $0x0, v28  }
0x71: {  	v17 =	vsel vm1, $0x0, v10;
	v18 =	vadd.f32 v16, v12;
	v16 =	vsel vm1, $0x1, v3  }
0x72: {  	v20 =	vsel vm2, $0x0, v13;
	v19 =	vsel vm2, $0x1, v3;
	s14 =	sshra.s32 s15, $0x2;
	v22 =	vnsel vm6, $0x0, v32  }
0x73: {  	v31 =	vsel vm3, $0x1, v3;
	v34 =	vsel vm3, $0x0, v29;
	v12 =	vld [tilespmem:s14+$0x70];
	v22 =	vadd.f32 v22, v18  }
0x74: {  	v26 =	vsel vm5, $0x1, v3;
	v35 =	vsel vm5, $0x0, v33;
	v18 =	vld [tilespmem:s14+$0x2370];
	v23 =	vnsel vm7, $0x0, v21  }
0x75: {  	v24 =	vsel vm7, $0x1, v3;
	v37 =	vsel vm7, $0x0, v21;
	v36 =	vld [tilespmem:s14+$0x60];
	v22 =	vadd.f32 v23, v22  }
0x76: {  	v25 =	vsel vm6, $0x1, v3;
	v32 =	vsel vm6, $0x0, v32;
	v23 =	vnsel vm5, $0x0, v33;
	v21 =	vld [tilespmem:s14+$0x2360]  }
0x77: {  	v38 =	vsel vm4, $0x1, v3;
	v28 =	vsel vm4, $0x0, v28;
	v33 =	vld [tilespmem:s14+$0x50];
	v39 =	vadd.f32 v23, v22  }
.Ltmp2:
0x78: {  	v30 =	vadd.s32 v38, v30;
	v27 =	vmax.f32 v27, v28;
	v28 =	vnsel vm3, $0x0, v29;
	v22 =	vld [tilespmem:s14+$0x2350];
	(pc) =	sbr.rel @p0 .LBB2_6-.Ltmp2, $4  }
0x79: {  	v29 =	vadd.s32 v25, v30;
	v27 =	vmax.f32 v27, v32;
	v23 =	vld [tilespmem:s14+$0x2340];
	v28 =	vadd.f32 v28, v39  }
0x7a: {  	v29 =	vadd.s32 v24, v29;
	v32 =	vnsel vm2, $0x0, v13;
	v27 =	vmax.f32 v27, v37;
	v25 =	vld [tilespmem:s14+$0x2330]  }
0x7b: {  	v29 =	vadd.s32 v26, v29;
	v30 =	vmax.f32 v27, v35;
	v24 =	vld [tilespmem:s14+$0x2320];
	v27 =	vadd.f32 v32, v28  }
0x7c: {  	s15 =	sadd.s32 $0x200, s15;
	v28 =	vadd.s32 v31, v29;
	v29 =	vmax.f32 v30, v34;
	v30 =	vnsel vm1, $0x0, v10;
	v10 =	vmovc v36;
	v26 =	vld [tilespmem:s14+$0x2310];
	v13 =	vmovc v33  }
0x7d: {  	v31 =	vld [tilespmem:s14+$0x2300]  }
0x7e: {  	v19 =	vadd.s32 v19, v28;
	v20 =	vmax.f32 v29, v20;
	v60 =	vld [tilespmem:s14+$0x0]  }
0x7f: {  	v27 =	vadd.f32 v30, v27;
	v11 =	vsel vm0, $0x0, v11;
	vm2 =	vgt.s32 v21, v9  }
0x80: {  	v61 =	vld [tilespmem:s14+$0x10];
	vm15 =	vgt.s32 v18, v9;
	vm1 =	vgt.s32 v22, v9;
	v16 =	vadd.s32 v16, v19  }
0x81: {  	v17 =	vmax.f32 v20, v17;
	vm4 =	vgt.s32 v23, v9;
	v35 =	vsel vm15, $0x1, v3  }
0x82: {  	v63 =	vld [tilespmem:s14+$0x20];
	v36 =	vnsel vm15, $0x0, v12;
	v15 =	vadd.f32 v15, v27;
	vm5 =	vgt.s32 v31, v9  }
0x83: {  	v62 =	vld [tilespmem:s14+$0x40];
	v37 =	vsel vm2, $0x1, v3;
	vm3 =	vgt.s32 v25, v9;
	v34 =	vnsel vm5, $0x0, v60  }
0x84: {  	v33 =	vld [tilespmem:s14+$0x30];
	vm7 =	vgt.s32 v24, v9;
	vm6 =	vgt.s32 v26, v9;
	v9 =	vadd.f32 v34, v15  }
0x85: {  	v38 =	vsel vm2, $0x0, v10;
	v40 =	vsel vm1, $0x1, v3;
	v39 =	vnsel vm6, $0x0, v61  }
0x86: {  	v50 =	vnsel vm1, $0x0, v13;
	v51 =	vnsel vm2, $0x0, v10;
	v9 =	vadd.f32 v39, v9  }
0x87: {  	v14 =	vadd.s32 v14, v16;
	v11 =	vmax.f32 v17, v11;
	v43 =	vnsel vm7, $0x0, v63  }
0x88: {  	v41 =	vsel vm4, $0x1, v3;
	v44 =	vsel vm3, $0x1, v3;
	v9 =	vadd.f32 v43, v9  }
0x89: {  	v46 =	vsel vm7, $0x1, v3;
	v42 =	vsel vm4, $0x0, v62;
	v19 =	vnsel vm3, $0x0, v33  }
0x8a: {  	v18 =	vsel vm7, $0x0, v63;
	v47 =	vsel vm5, $0x1, v3;
	v9 =	vadd.f32 v19, v9  }
0x8b: {  	v48 =	vsel vm6, $0x1, v3;
	v17 =	vnsel vm4, $0x0, v62;
	v14 =	vadd.s32 v47, v14  }
0x8c: {  	v49 =	vsel vm5, $0x0, v60;
	v14 =	vadd.s32 v48, v14;
	v9 =	vadd.f32 v17, v9  }
0x8d: {  	v16 =	vsel vm6, $0x0, v61;
	v11 =	vmax.f32 v11, v49;
	v14 =	vadd.s32 v46, v14  }
0x8e: {  	v11 =	vmax.f32 v11, v16;
	v14 =	vadd.s32 v44, v14;
	v9 =	vadd.f32 v50, v9  }
0x8f: {  	v45 =	vsel vm3, $0x0, v33;
	v11 =	vmax.f32 v11, v18;
	v14 =	vadd.s32 v41, v14  }
0x90: {  	v11 =	vmax.f32 v11, v45;
	v14 =	vadd.s32 v40, v14;
	v9 =	vadd.f32 v51, v9  }
0x91: {  	v53 =	vsel vm1, $0x0, v13;
	v11 =	vmax.f32 v11, v42;
	v52 =	vadd.s32 v37, v14  }
0x92: {  	v11 =	vmax.f32 v11, v53;
	v10 =	vadd.s32 v35, v52;
	v9 =	vadd.f32 v36, v9  }
0x93: {  	v55 =	vsel vm15, $0x0, v12;
	v11 =	vmax.f32 v11, v38;
	v54 =	vperm.xlane v10, v4  }
0x94: {  	v11 =	vmax.f32 v11, v55;
	v56 =	vperm.xlane v9, v4  }
0x95: {  	v58 =	vperm.xlane v11, v4;
	v10 =	vadd.s32 v10, v54  }
0x96: {  	v57 =	vperm.xlane v10, v5;
	v9 =	vadd.f32 v56, v9  }
0x97: {  	v11 =	vmax.f32 v11, v58  }
0x98: {  	v13 =	vperm.xlane v11, v5;
	v10 =	vadd.s32 v57, v10;
	v59 =	vperm.xlane v9, v5  }
0x99: {  	v12 =	vperm.xlane v10, v6  }
0x9a: {  	v11 =	vmax.f32 v11, v13;
	v9 =	vadd.f32 v59, v9  }
0x9b: {  	v61 =	vperm.xlane v11, v6;
	v10 =	vadd.s32 v12, v10  }
0x9c: {  	v12 =	vperm.xlane v10, v7;
	v60 =	vperm.xlane v9, v6;
	_ =	sdelay $0x1  }
0x9d: {  	v11 =	vmax.f32 v11, v61;
	v10 =	vadd.s32 v10, v12;
	v9 =	vadd.f32 v60, v9  }
0x9e: {  	v62 =	vperm.xlane v11, v7;
	v8 =	vsub.s32 v8, v10  }
0x9f: {  	v8 =	vcvt.s32.f32 v8;
	v63 =	vperm.xlane v9, v7  }
0xa0: {  	v11 =	vmax.f32 v11, v62  }
0xa1: {  	v8 =	vmul.f32 v8, v11;
	v9 =	vadd.f32 v63, v9;
	_ =	sdelay $0x1  }
0xa2: {  	s13 =	sadd.s32 $0x1, s13;
	v8 =	vadd.f32 v8, v9  }
0xa3: {  	p0 =	sne.s32 s13, s8  }
.Ltmp3:
0xa4: {  	[tilespmem:$0x4680] =	vst v8;
	(pc) =	sbr.rel @p0 .LBB2_1-.Ltmp3, $4  }
0xa5: {  	[hbm4b:s7+s2] =	stream.linear.scatter [tilespmem:s12], [sflag:$0x1], $0x10, $0x38;
	[tilespmem:$0x4700] =	vst v63  }
0xa6: {  	_ =	swait.ge [sflag:s9], $0x10  }
0xa7: {  	[sflag:s9] =	ssyncset.done $0x0  }
0xa8: {  	[sflag:s9] =	ssyncadd.s32 $0xFFFFFFF0  }
0xa9: {  	_ =	sfence.sel $0x180000  }
0xaa: {  	[bflag:$0x0] =	sbarrier.arrive $0xFFFF  }
0xab: {  	p0 =	sne.s32 s1, $0x0;
	_ =	strace $0x90000047  }
0xac: {  	s0 =	sadd.s32 @!p0 $0x100000, s0;
	[bflag:$0x2] =	sbarrier.arrive $0xFFFF  }
0xad: {  	[sflag:s0] =	ssyncadd.tile.s32 @!p0 $0x1;
	_ =	shalt  }
.Lfunc_end2:
_tile_overlayer_lowered:
.L_overlay_start_2:
0xae: {  	(tag) =	ssettag $0x2  }
0xaf: {  	s0 =	rddreg [dreg:$0x0];
	s2 =	stileid.u32  }
0xb0: {  	s1 =	rddreg [dreg:$0x1];
	p0 =	sne.s32 s2, $0x0  }
0xb1: {  	s3 =	rddreg [dreg:$0x2];
	[bflag:$0x3] =	sbarrier.arrive $0xFFFF;
	s2 =	simm.s32 @!p0 $0x1C01  }
0xb2: {  	[timem:s3], [sflag:s2] =	dma.local @!p0 [hbm:s0], s1  }
0xb3: {  	s0 =	simm.s32 @!p0 $0x1  }
0xb4: {  	_ =	swait.ge @!p0 [sflag:s0], s1  }
0xb5: {  	s1 =	ssub.s32 @!p0 $0x0, s1;
	[sflag:s0] =	ssyncset.done @!p0 $0x0  }
0xb6: {  	[sflag:s0] =	ssyncadd.s32 @!p0 s1  }
0xb7: {  	[bflag:$0x3] =	sbarrier.arrive $0xFFFF  }
0xb8: {  	_ =	shalt  }

</sc_bundles>
